<compile_context>
chip_gen: v7x
topology: tpu7x:2x2x1
jax: 0.10.2.dev20260603
libtpu: 0.0.44.dev20260713+nightly
codegen_flags: <defaults>
</compile_context>

<pallas_src>
import functools

import jax
import jax.numpy as jnp
from jax import lax
from jax.experimental import pallas as pl
from jax.experimental.pallas import tpu as pltpu
from jax.experimental.pallas import tpu_sc as plsc

BATCH = 4
SEQ_LEN = 8192
EMBD_DIM = 128
NUM_TOKENS = BATCH * SEQ_LEN

NUM_CORES = 2
NUM_SUBCORES = 16
NW = NUM_CORES * NUM_SUBCORES
TOK_PER_W = NUM_TOKENS // NW
CHUNK = 128
NCHUNK = TOK_PER_W // CHUNK
SUBB = 2
LANES = 16
NBUF = 5
DEPTH = 3
TROWS = SEQ_LEN // NW


def _sc_body(x_hbm, embd_hbm, pos_hbm, out_hbm, idx_v, pos_v, *scratch):
    bufs = scratch[:NBUF]
    osems = scratch[NBUF:2 * NBUF]
    gsems = scratch[2 * NBUF:2 * NBUF + DEPTH + 1]
    psem = scratch[-1]

    wid = lax.axis_index("s") * NUM_CORES + lax.axis_index("c")
    t0 = wid * TROWS

    pltpu.sync_copy(x_hbm.at[wid], idx_v)
    pos_cp = pltpu.async_copy(pos_hbm.at[pl.ds(t0, TROWS)], pos_v, psem)

    def gather_start(c):
        b = c % NBUF
        return pltpu.async_copy(
            embd_hbm.at[idx_v.at[c]], bufs[b], gsems[c % (DEPTH + 1)])

    def store_start(c):
        b = c % NBUF
        base = (c // SUBB) * SEQ_LEN + t0 + (c % SUBB) * CHUNK
        return pltpu.async_copy(
            bufs[b], out_hbm.at[pl.ds(base, CHUNK)], osems[b])

    def add_pos(c):
        buf = bufs[c % NBUF]
        po = (c % SUBB) * CHUNK

        @plsc.parallel_loop(0, CHUNK, unroll=4)
        def _(r):
            for j in range(EMBD_DIM // LANES):
                s = pl.ds(j * LANES, LANES)
                plsc.addupdate(buf.at[r, s], pos_v[po + r, s])

    g_cp = [None] * NCHUNK
    s_cp = [None] * NCHUNK
    s_waited = [False] * NCHUNK

    for c in range(min(DEPTH, NCHUNK)):
        g_cp[c] = gather_start(c)
    pos_cp.wait()
    for c in range(NCHUNK):
        nxt = c + DEPTH
        if nxt < NCHUNK:
            prev = nxt - NBUF
            if prev >= 0 and not s_waited[prev]:
                s_cp[prev].wait()
                s_waited[prev] = True
            g_cp[nxt] = gather_start(nxt)
        g_cp[c].wait()
        add_pos(c)
        s_cp[c] = store_start(c)
    for c in range(NCHUNK):
        if not s_waited[c]:
            s_cp[c].wait()
            s_waited[c] = True


@jax.jit
def kernel(x, embd_table, pos_table):
    xr = (x.astype(jnp.int32)
          .reshape(BATCH, NW, SUBB, CHUNK)
          .transpose(1, 0, 2, 3)
          .reshape(NW, NCHUNK, CHUNK))
    mesh = plsc.VectorSubcoreMesh(core_axis_name="c", subcore_axis_name="s")
    out = pl.kernel(
        _sc_body,
        out_type=jax.ShapeDtypeStruct((NUM_TOKENS, EMBD_DIM), jnp.float32),
        mesh=mesh,
        scratch_types=(
            [pltpu.VMEM((NCHUNK, CHUNK), jnp.int32),
             pltpu.VMEM((TROWS, EMBD_DIM), jnp.float32)]
            + [pltpu.VMEM((CHUNK, EMBD_DIM), jnp.float32)] * NBUF
            + [pltpu.SemaphoreType.DMA] * (NBUF + DEPTH + 2)
        ),
    )(xr, embd_table, pos_table)
    return out.reshape(BATCH, SEQ_LEN, EMBD_DIM)

# --- scband reference (transcript-rebuilt; emitter-appended) ---
"""Pipeline reference for scband-pos-and-word-embedding-70231305224919 (READ-ONLY COPY).

The authoritative reference and input builder live on the scoring server;
editing this copy changes nothing except your own understanding.
"""

import jax, jax.numpy as jnp
import numpy as np

VOCAB_SIZE = 100000
EMBD_DIM = 128
BLOCK_SIZE = 8192
BATCH = 4
SEQ_LEN = 8192

def setup_inputs(seed: int = 0) -> dict:
    key = jax.random.key(seed)
    k1, k2, k3 = jax.random.split(key, 3)
    x = jax.random.randint(k1, (BATCH, SEQ_LEN), 0, VOCAB_SIZE, dtype=jnp.int64 if jax.config.jax_enable_x64 else jnp.int32)
    embd_table = jax.random.normal(k2, (VOCAB_SIZE, EMBD_DIM), dtype=jnp.float32) * 0.02
    pos_table = jax.random.normal(k3, (BLOCK_SIZE, EMBD_DIM), dtype=jnp.float32) * 0.02
    return {"x": x, "embd_table": embd_table, "pos_table": pos_table}

def reference(x, embd_table, pos_table):
    # word embedding lookup: gather rows of embd_table
    tok = jnp.take(embd_table, x, axis=0)              # [B, T, D]
    t = x.shape[1]
    pos_ids = jnp.arange(0, t, dtype=jnp.int32)
    pos = jnp.take(pos_table, pos_ids, axis=0)         # [T, D]
    out = tok + pos[None, :, :]
    # dropout is identity at inference (eval mode)
    return out

if __name__ == "__main__":
    import jax
    _d = setup_inputs()
    print(jax.jit(kernel)(*tuple(_d.values())))

</pallas_src>

<mosaic_0001>
#map = affine_map<(d0, d1) -> (0, 0, 0)>
#map1 = affine_map<(d0, d1) -> (0, 0)>
module attributes {stable_mosaic.version = 14 : i64} {
  func.func @_sc_body(%arg0: i32, %arg1: i32, %arg2: memref<32x8x128xi32, #tpu.memory_space<hbm>>, %arg3: memref<100000x128xf32, #tpu.memory_space<hbm>>, %arg4: memref<8192x128xf32, #tpu.memory_space<hbm>>, %arg5: memref<32768x128xf32, #tpu.memory_space<hbm>>, %arg6: memref<8x128xi32, #tpu.memory_space<vmem>>, %arg7: memref<256x128xf32, #tpu.memory_space<vmem>>, %arg8: memref<128x128xf32, #tpu.memory_space<vmem>>, %arg9: memref<128x128xf32, #tpu.memory_space<vmem>>, %arg10: memref<128x128xf32, #tpu.memory_space<vmem>>, %arg11: memref<128x128xf32, #tpu.memory_space<vmem>>, %arg12: memref<128x128xf32, #tpu.memory_space<vmem>>, %arg13: memref<!tpu.dma_semaphore, #tpu.memory_space<semaphore_mem>>, %arg14: memref<!tpu.dma_semaphore, #tpu.memory_space<semaphore_mem>>, %arg15: memref<!tpu.dma_semaphore, #tpu.memory_space<semaphore_mem>>, %arg16: memref<!tpu.dma_semaphore, #tpu.memory_space<semaphore_mem>>, %arg17: memref<!tpu.dma_semaphore, #tpu.memory_space<semaphore_mem>>, %arg18: memref<!tpu.dma_semaphore, #tpu.memory_space<semaphore_mem>>, %arg19: memref<!tpu.dma_semaphore, #tpu.memory_space<semaphore_mem>>, %arg20: memref<!tpu.dma_semaphore, #tpu.memory_space<semaphore_mem>>, %arg21: memref<!tpu.dma_semaphore, #tpu.memory_space<semaphore_mem>>, %arg22: memref<!tpu.dma_semaphore, #tpu.memory_space<semaphore_mem>>) attributes {dimension_semantics = [#tpu.dimension_semantics<core_parallel>, #tpu.dimension_semantics<subcore_parallel>], iteration_bounds = array<i64: 2, 16>, scalar_prefetch = 0 : i64, scratch_operands = 17 : i64, tpu.core_type = #tpu.core_type<sc_vector_subcore>, window_params = [{transform_indices = #map}, {transform_indices = #map1}, {transform_indices = #map1}, {transform_indices = #map1}]} {
    %mul3A = arith.constant 2 : i32
    %mul3A_0 = arith.muli %arg1, %mul3A : i32
    %add3A = arith.addi %mul3A_0, %arg0 : i32
    %mul3A_1 = arith.constant 256 : i32
    %mul3A_2 = arith.muli %add3A, %mul3A_1 : i32
    "tpu.region"() ({
      %run_scoped3A = tpu.sem_alloc : memref<!tpu.dma_semaphore, #tpu.memory_space<semaphore_mem>>
      %dma_start3A_240 = arith.constant 0 : i32
      %dma_start3A_241 = arith.constant 0 : i32
      %dma_start3A_242 = tpu.memref_slice %arg2[%add3A, %dma_start3A_240, %dma_start3A_241] : memref<32x8x128xi32, #tpu.memory_space<hbm>> -> memref<1x8x128xi32, #tpu.memory_space<hbm>>
      %dma_start3A_243 = tpu.memref_squeeze %dma_start3A_242 : memref<1x8x128xi32, #tpu.memory_space<hbm>> -> memref<8x128xi32, #tpu.memory_space<hbm>>
      %dma_start3A_244 = arith.constant 0 : i32
      %dma_start3A_245 = arith.constant 0 : i32
      %dma_start3A_246 = tpu.memref_slice %arg2[%add3A, %dma_start3A_244, %dma_start3A_245] : memref<32x8x128xi32, #tpu.memory_space<hbm>> -> memref<1x8x128xi32, #tpu.memory_space<hbm>>
      %dma_start3A_247 = tpu.memref_squeeze %dma_start3A_246 : memref<1x8x128xi32, #tpu.memory_space<hbm>> -> memref<8x128xi32, #tpu.memory_space<hbm>>
      tpu.enqueue_dma source(%dma_start3A_247 : memref<8x128xi32, #tpu.memory_space<hbm>>) target(%arg6 : memref<8x128xi32, #tpu.memory_space<vmem>>) target_semaphore(%run_scoped3A : memref<!tpu.dma_semaphore, #tpu.memory_space<semaphore_mem>>)
      %dma_wait3A_248 = arith.constant 0 : i32
      %dma_wait3A_249 = arith.constant 0 : i32
      %dma_wait3A_250 = tpu.memref_slice %arg2[%add3A, %dma_wait3A_248, %dma_wait3A_249] : memref<32x8x128xi32, #tpu.memory_space<hbm>> -> memref<1x8x128xi32, #tpu.memory_space<hbm>>
      %dma_wait3A_251 = tpu.memref_squeeze %dma_wait3A_250 : memref<1x8x128xi32, #tpu.memory_space<hbm>> -> memref<8x128xi32, #tpu.memory_space<hbm>>
      %dma_wait3A_252 = arith.constant 0 : i32
      %dma_wait3A_253 = arith.constant 0 : i32
      %dma_wait3A_254 = tpu.memref_slice %arg2[%add3A, %dma_wait3A_252, %dma_wait3A_253] : memref<32x8x128xi32, #tpu.memory_space<hbm>> -> memref<1x8x128xi32, #tpu.memory_space<hbm>>
      %dma_wait3A_255 = tpu.memref_squeeze %dma_wait3A_254 : memref<1x8x128xi32, #tpu.memory_space<hbm>> -> memref<8x128xi32, #tpu.memory_space<hbm>>
      tpu.wait_dma2 semaphore(%run_scoped3A : memref<!tpu.dma_semaphore, #tpu.memory_space<semaphore_mem>>) src(%dma_wait3A_255 : memref<8x128xi32, #tpu.memory_space<hbm>>) dst(%arg6 : memref<8x128xi32, #tpu.memory_space<vmem>>)
      tpu.yield
    }) : () -> ()
    %dma_start3A = arith.constant 0 : i32
    %dma_start3A_3 = tpu.memref_slice %arg4[%mul3A_2, %dma_start3A] : memref<8192x128xf32, #tpu.memory_space<hbm>> -> memref<256x128xf32, #tpu.memory_space<hbm>>
    %dma_start3A_4 = arith.constant 0 : i32
    %dma_start3A_5 = tpu.memref_slice %arg4[%mul3A_2, %dma_start3A_4] : memref<8192x128xf32, #tpu.memory_space<hbm>> -> memref<256x128xf32, #tpu.memory_space<hbm>>
    tpu.enqueue_dma source(%dma_start3A_5 : memref<256x128xf32, #tpu.memory_space<hbm>>) target(%arg7 : memref<256x128xf32, #tpu.memory_space<vmem>>) target_semaphore(%arg22 : memref<!tpu.dma_semaphore, #tpu.memory_space<semaphore_mem>>)
    %dma_start3A_6 = arith.constant 0 : i32
    %dma_start3A_7 = arith.constant 0 : i32
    %dma_start3A_8 = tpu.memref_slice %arg6[%dma_start3A_6, %dma_start3A_7] : memref<8x128xi32, #tpu.memory_space<vmem>> -> memref<1x128xi32, #tpu.memory_space<vmem>>
    %dma_start3A_9 = tpu.memref_squeeze %dma_start3A_8 : memref<1x128xi32, #tpu.memory_space<vmem>> -> memref<128xi32, #tpu.memory_space<vmem>>
    %dma_start3A_10 = arith.constant 0 : i32
    %dma_start3A_11 = arith.constant 0 : i32
    %dma_start3A_12 = tpu.memref_slice %arg3[%dma_start3A_10, %dma_start3A_11] : memref<100000x128xf32, #tpu.memory_space<hbm>> -> memref<100000x128xf32, #tpu.memory_space<hbm>>
    tpu.enqueue_indirect_dma source(%dma_start3A_12 : memref<100000x128xf32, #tpu.memory_space<hbm>>) target(%arg8 : memref<128x128xf32, #tpu.memory_space<vmem>>) offsets(%dma_start3A_9 : memref<128xi32, #tpu.memory_space<vmem>>) semaphore(%arg18 : memref<!tpu.dma_semaphore, #tpu.memory_space<semaphore_mem>>)
    %dma_start3A_13 = arith.constant 1 : i32
    %dma_start3A_14 = arith.constant 0 : i32
    %dma_start3A_15 = tpu.memref_slice %arg6[%dma_start3A_13, %dma_start3A_14] : memref<8x128xi32, #tpu.memory_space<vmem>> -> memref<1x128xi32, #tpu.memory_space<vmem>>
    %dma_start3A_16 = tpu.memref_squeeze %dma_start3A_15 : memref<1x128xi32, #tpu.memory_space<vmem>> -> memref<128xi32, #tpu.memory_space<vmem>>
    %dma_start3A_17 = arith.constant 0 : i32
    %dma_start3A_18 = arith.constant 0 : i32
    %dma_start3A_19 = tpu.memref_slice %arg3[%dma_start3A_17, %dma_start3A_18] : memref<100000x128xf32, #tpu.memory_space<hbm>> -> memref<100000x128xf32, #tpu.memory_space<hbm>>
    tpu.enqueue_indirect_dma source(%dma_start3A_19 : memref<100000x128xf32, #tpu.memory_space<hbm>>) target(%arg9 : memref<128x128xf32, #tpu.memory_space<vmem>>) offsets(%dma_start3A_16 : memref<128xi32, #tpu.memory_space<vmem>>) semaphore(%arg19 : memref<!tpu.dma_semaphore, #tpu.memory_space<semaphore_mem>>)
    %dma_start3A_20 = arith.constant 2 : i32
    %dma_start3A_21 = arith.constant 0 : i32
    %dma_start3A_22 = tpu.memref_slice %arg6[%dma_start3A_20, %dma_start3A_21] : memref<8x128xi32, #tpu.memory_space<vmem>> -> memref<1x128xi32, #tpu.memory_space<vmem>>
    %dma_start3A_23 = tpu.memref_squeeze %dma_start3A_22 : memref<1x128xi32, #tpu.memory_space<vmem>> -> memref<128xi32, #tpu.memory_space<vmem>>
    %dma_start3A_24 = arith.constant 0 : i32
    %dma_start3A_25 = arith.constant 0 : i32
    %dma_start3A_26 = tpu.memref_slice %arg3[%dma_start3A_24, %dma_start3A_25] : memref<100000x128xf32, #tpu.memory_space<hbm>> -> memref<100000x128xf32, #tpu.memory_space<hbm>>
    tpu.enqueue_indirect_dma source(%dma_start3A_26 : memref<100000x128xf32, #tpu.memory_space<hbm>>) target(%arg10 : memref<128x128xf32, #tpu.memory_space<vmem>>) offsets(%dma_start3A_23 : memref<128xi32, #tpu.memory_space<vmem>>) semaphore(%arg20 : memref<!tpu.dma_semaphore, #tpu.memory_space<semaphore_mem>>)
    %dma_wait3A = arith.constant 0 : i32
    %dma_wait3A_27 = tpu.memref_slice %arg4[%mul3A_2, %dma_wait3A] : memref<8192x128xf32, #tpu.memory_space<hbm>> -> memref<256x128xf32, #tpu.memory_space<hbm>>
    %dma_wait3A_28 = arith.constant 0 : i32
    %dma_wait3A_29 = tpu.memref_slice %arg4[%mul3A_2, %dma_wait3A_28] : memref<8192x128xf32, #tpu.memory_space<hbm>> -> memref<256x128xf32, #tpu.memory_space<hbm>>
    tpu.wait_dma2 semaphore(%arg22 : memref<!tpu.dma_semaphore, #tpu.memory_space<semaphore_mem>>) src(%dma_wait3A_29 : memref<256x128xf32, #tpu.memory_space<hbm>>) dst(%arg7 : memref<256x128xf32, #tpu.memory_space<vmem>>)
    %dma_start3A_30 = arith.constant 3 : i32
    %dma_start3A_31 = arith.constant 0 : i32
    %dma_start3A_32 = tpu.memref_slice %arg6[%dma_start3A_30, %dma_start3A_31] : memref<8x128xi32, #tpu.memory_space<vmem>> -> memref<1x128xi32, #tpu.memory_space<vmem>>
    %dma_start3A_33 = tpu.memref_squeeze %dma_start3A_32 : memref<1x128xi32, #tpu.memory_space<vmem>> -> memref<128xi32, #tpu.memory_space<vmem>>
    %dma_start3A_34 = arith.constant 0 : i32
    %dma_start3A_35 = arith.constant 0 : i32
    %dma_start3A_36 = tpu.memref_slice %arg3[%dma_start3A_34, %dma_start3A_35] : memref<100000x128xf32, #tpu.memory_space<hbm>> -> memref<100000x128xf32, #tpu.memory_space<hbm>>
    tpu.enqueue_indirect_dma source(%dma_start3A_36 : memref<100000x128xf32, #tpu.memory_space<hbm>>) target(%arg11 : memref<128x128xf32, #tpu.memory_space<vmem>>) offsets(%dma_start3A_33 : memref<128xi32, #tpu.memory_space<vmem>>) semaphore(%arg21 : memref<!tpu.dma_semaphore, #tpu.memory_space<semaphore_mem>>)
    %dma_wait3A_37 = arith.constant 0 : i32
    %dma_wait3A_38 = arith.constant 0 : i32
    %dma_wait3A_39 = tpu.memref_slice %arg6[%dma_wait3A_37, %dma_wait3A_38] : memref<8x128xi32, #tpu.memory_space<vmem>> -> memref<1x128xi32, #tpu.memory_space<vmem>>
    %dma_wait3A_40 = tpu.memref_squeeze %dma_wait3A_39 : memref<1x128xi32, #tpu.memory_space<vmem>> -> memref<128xi32, #tpu.memory_space<vmem>>
    %dma_wait3A_41 = arith.constant 0 : i32
    %dma_wait3A_42 = arith.constant 0 : i32
    %dma_wait3A_43 = tpu.memref_slice %arg3[%dma_wait3A_41, %dma_wait3A_42] : memref<100000x128xf32, #tpu.memory_space<hbm>> -> memref<100000x128xf32, #tpu.memory_space<hbm>>
    tpu.wait_indirect_dma semaphore(%arg18 : memref<!tpu.dma_semaphore, #tpu.memory_space<semaphore_mem>>) src(%dma_wait3A_43 : memref<100000x128xf32, #tpu.memory_space<hbm>>) dst(%arg8 : memref<128x128xf32, #tpu.memory_space<vmem>>)
    %parallel_loop3A = arith.constant 0 : i32
    %parallel_loop3A_44 = arith.constant 128 : i32
    %parallel_loop3A_45 = arith.constant 1 : i32
    scf.for %parallel_loop3A_240 = %parallel_loop3A to %parallel_loop3A_44 step %parallel_loop3A_45  : i32 {
      %parallel_loop3A_241 = arith.constant 0 : i32
      %parallel_loop3A_242 = arith.addi %parallel_loop3A_241, %parallel_loop3A_240 : i32
      %parallel_loop3A_243 = arith.index_cast %parallel_loop3A_242 : i32 to index
      %parallel_loop3A_244 = arith.constant 0 : index
      %parallel_loop3A_245 = tpu.vector_load %arg7[%parallel_loop3A_243, %parallel_loop3A_244] {strides = array<i32>} : memref<256x128xf32, #tpu.memory_space<vmem>>, vector<1x16xf32>,
      %parallel_loop3A_246 = vector.shape_cast %parallel_loop3A_245 : vector<1x16xf32> to vector<16xf32>
      %parallel_loop3A_247 = arith.index_cast %parallel_loop3A_240 : i32 to index
      %parallel_loop3A_248 = arith.constant 0 : index
      %parallel_loop3A_249 = tpu.vector_load %arg8[%parallel_loop3A_247, %parallel_loop3A_248] {strides = array<i32>} : memref<128x128xf32, #tpu.memory_space<vmem>>, vector<1x16xf32>,
      %parallel_loop3A_250 = vector.shape_cast %parallel_loop3A_249 : vector<1x16xf32> to vector<16xf32>
      %parallel_loop3A_251 = vector.shape_cast %parallel_loop3A_246 : vector<16xf32> to vector<1x16xf32>
      tpu.vector_store %arg8[%parallel_loop3A_247, %parallel_loop3A_248], %parallel_loop3A_251 {add = true, strides = array<i32>} : memref<128x128xf32, #tpu.memory_space<vmem>>, vector<1x16xf32>,
      %parallel_loop3A_252 = arith.constant 0 : i32
      %parallel_loop3A_253 = arith.addi %parallel_loop3A_252, %parallel_loop3A_240 : i32
      %parallel_loop3A_254 = arith.index_cast %parallel_loop3A_253 : i32 to index
      %parallel_loop3A_255 = arith.constant 16 : index
      %parallel_loop3A_256 = tpu.vector_load %arg7[%parallel_loop3A_254, %parallel_loop3A_255] {strides = array<i32>} : memref<256x128xf32, #tpu.memory_space<vmem>>, vector<1x16xf32>,
      %parallel_loop3A_257 = vector.shape_cast %parallel_loop3A_256 : vector<1x16xf32> to vector<16xf32>
      %parallel_loop3A_258 = arith.index_cast %parallel_loop3A_240 : i32 to index
      %parallel_loop3A_259 = arith.constant 16 : index
      %parallel_loop3A_260 = tpu.vector_load %arg8[%parallel_loop3A_258, %parallel_loop3A_259] {strides = array<i32>} : memref<128x128xf32, #tpu.memory_space<vmem>>, vector<1x16xf32>,
      %parallel_loop3A_261 = vector.shape_cast %parallel_loop3A_260 : vector<1x16xf32> to vector<16xf32>
      %parallel_loop3A_262 = vector.shape_cast %parallel_loop3A_257 : vector<16xf32> to vector<1x16xf32>
      tpu.vector_store %arg8[%parallel_loop3A_258, %parallel_loop3A_259], %parallel_loop3A_262 {add = true, strides = array<i32>} : memref<128x128xf32, #tpu.memory_space<vmem>>, vector<1x16xf32>,
      %parallel_loop3A_263 = arith.constant 0 : i32
      %parallel_loop3A_264 = arith.addi %parallel_loop3A_263, %parallel_loop3A_240 : i32
      %parallel_loop3A_265 = arith.index_cast %parallel_loop3A_264 : i32 to index
      %parallel_loop3A_266 = arith.constant 32 : index
      %parallel_loop3A_267 = tpu.vector_load %arg7[%parallel_loop3A_265, %parallel_loop3A_266] {strides = array<i32>} : memref<256x128xf32, #tpu.memory_space<vmem>>, vector<1x16xf32>,
      %parallel_loop3A_268 = vector.shape_cast %parallel_loop3A_267 : vector<1x16xf32> to vector<16xf32>
      %parallel_loop3A_269 = arith.index_cast %parallel_loop3A_240 : i32 to index
      %parallel_loop3A_270 = arith.constant 32 : index
      %parallel_loop3A_271 = tpu.vector_load %arg8[%parallel_loop3A_269, %parallel_loop3A_270] {strides = array<i32>} : memref<128x128xf32, #tpu.memory_space<vmem>>, vector<1x16xf32>,
      %parallel_loop3A_272 = vector.shape_cast %parallel_loop3A_271 : vector<1x16xf32> to vector<16xf32>
      %parallel_loop3A_273 = vector.shape_cast %parallel_loop3A_268 : vector<16xf32> to vector<1x16xf32>
      tpu.vector_store %arg8[%parallel_loop3A_269, %parallel_loop3A_270], %parallel_loop3A_273 {add = true, strides = array<i32>} : memref<128x128xf32, #tpu.memory_space<vmem>>, vector<1x16xf32>,
      %parallel_loop3A_274 = arith.constant 0 : i32
      %parallel_loop3A_275 = arith.addi %parallel_loop3A_274, %parallel_loop3A_240 : i32
      %parallel_loop3A_276 = arith.index_cast %parallel_loop3A_275 : i32 to index
      %parallel_loop3A_277 = arith.constant 48 : index
      %parallel_loop3A_278 = tpu.vector_load %arg7[%parallel_loop3A_276, %parallel_loop3A_277] {strides = array<i32>} : memref<256x128xf32, #tpu.memory_space<vmem>>, vector<1x16xf32>,
      %parallel_loop3A_279 = vector.shape_cast %parallel_loop3A_278 : vector<1x16xf32> to vector<16xf32>
      %parallel_loop3A_280 = arith.index_cast %parallel_loop3A_240 : i32 to index
      %parallel_loop3A_281 = arith.constant 48 : index
      %parallel_loop3A_282 = tpu.vector_load %arg8[%parallel_loop3A_280, %parallel_loop3A_281] {strides = array<i32>} : memref<128x128xf32, #tpu.memory_space<vmem>>, vector<1x16xf32>,
      %parallel_loop3A_283 = vector.shape_cast %parallel_loop3A_282 : vector<1x16xf32> to vector<16xf32>
      %parallel_loop3A_284 = vector.shape_cast %parallel_loop3A_279 : vector<16xf32> to vector<1x16xf32>
      tpu.vector_store %arg8[%parallel_loop3A_280, %parallel_loop3A_281], %parallel_loop3A_284 {add = true, strides = array<i32>} : memref<128x128xf32, #tpu.memory_space<vmem>>, vector<1x16xf32>,
      %parallel_loop3A_285 = arith.constant 0 : i32
      %parallel_loop3A_286 = arith.addi %parallel_loop3A_285, %parallel_loop3A_240 : i32
      %parallel_loop3A_287 = arith.index_cast %parallel_loop3A_286 : i32 to index
      %parallel_loop3A_288 = arith.constant 64 : index
      %parallel_loop3A_289 = tpu.vector_load %arg7[%parallel_loop3A_287, %parallel_loop3A_288] {strides = array<i32>} : memref<256x128xf32, #tpu.memory_space<vmem>>, vector<1x16xf32>,
      %parallel_loop3A_290 = vector.shape_cast %parallel_loop3A_289 : vector<1x16xf32> to vector<16xf32>
      %parallel_loop3A_291 = arith.index_cast %parallel_loop3A_240 : i32 to index
      %parallel_loop3A_292 = arith.constant 64 : index
      %parallel_loop3A_293 = tpu.vector_load %arg8[%parallel_loop3A_291, %parallel_loop3A_292] {strides = array<i32>} : memref<128x128xf32, #tpu.memory_space<vmem>>, vector<1x16xf32>,
      %parallel_loop3A_294 = vector.shape_cast %parallel_loop3A_293 : vector<1x16xf32> to vector<16xf32>
      %parallel_loop3A_295 = vector.shape_cast %parallel_loop3A_290 : vector<16xf32> to vector<1x16xf32>
      tpu.vector_store %arg8[%parallel_loop3A_291, %parallel_loop3A_292], %parallel_loop3A_295 {add = true, strides = array<i32>} : memref<128x128xf32, #tpu.memory_space<vmem>>, vector<1x16xf32>,
      %parallel_loop3A_296 = arith.constant 0 : i32
      %parallel_loop3A_297 = arith.addi %parallel_loop3A_296, %parallel_loop3A_240 : i32
      %parallel_loop3A_298 = arith.index_cast %parallel_loop3A_297 : i32 to index
      %parallel_loop3A_299 = arith.constant 80 : index
      %parallel_loop3A_300 = tpu.vector_load %arg7[%parallel_loop3A_298, %parallel_loop3A_299] {strides = array<i32>} : memref<256x128xf32, #tpu.memory_space<vmem>>, vector<1x16xf32>,
      %parallel_loop3A_301 = vector.shape_cast %parallel_loop3A_300 : vector<1x16xf32> to vector<16xf32>
      %parallel_loop3A_302 = arith.index_cast %parallel_loop3A_240 : i32 to index
      %parallel_loop3A_303 = arith.constant 80 : index
      %parallel_loop3A_304 = tpu.vector_load %arg8[%parallel_loop3A_302, %parallel_loop3A_303] {strides = array<i32>} : memref<128x128xf32, #tpu.memory_space<vmem>>, vector<1x16xf32>,
      %parallel_loop3A_305 = vector.shape_cast %parallel_loop3A_304 : vector<1x16xf32> to vector<16xf32>
      %parallel_loop3A_306 = vector.shape_cast %parallel_loop3A_301 : vector<16xf32> to vector<1x16xf32>
      tpu.vector_store %arg8[%parallel_loop3A_302, %parallel_loop3A_303], %parallel_loop3A_306 {add = true, strides = array<i32>} : memref<128x128xf32, #tpu.memory_space<vmem>>, vector<1x16xf32>,
      %parallel_loop3A_307 = arith.constant 0 : i32
      %parallel_loop3A_308 = arith.addi %parallel_loop3A_307, %parallel_loop3A_240 : i32
      %parallel_loop3A_309 = arith.index_cast %parallel_loop3A_308 : i32 to index
      %parallel_loop3A_310 = arith.constant 96 : index
      %parallel_loop3A_311 = tpu.vector_load %arg7[%parallel_loop3A_309, %parallel_loop3A_310] {strides = array<i32>} : memref<256x128xf32, #tpu.memory_space<vmem>>, vector<1x16xf32>,
      %parallel_loop3A_312 = vector.shape_cast %parallel_loop3A_311 : vector<1x16xf32> to vector<16xf32>
      %parallel_loop3A_313 = arith.index_cast %parallel_loop3A_240 : i32 to index
      %parallel_loop3A_314 = arith.constant 96 : index
      %parallel_loop3A_315 = tpu.vector_load %arg8[%parallel_loop3A_313, %parallel_loop3A_314] {strides = array<i32>} : memref<128x128xf32, #tpu.memory_space<vmem>>, vector<1x16xf32>,
      %parallel_loop3A_316 = vector.shape_cast %parallel_loop3A_315 : vector<1x16xf32> to vector<16xf32>
      %parallel_loop3A_317 = vector.shape_cast %parallel_loop3A_312 : vector<16xf32> to vector<1x16xf32>
      tpu.vector_store %arg8[%parallel_loop3A_313, %parallel_loop3A_314], %parallel_loop3A_317 {add = true, strides = array<i32>} : memref<128x128xf32, #tpu.memory_space<vmem>>, vector<1x16xf32>,
      %parallel_loop3A_318 = arith.constant 0 : i32
      %parallel_loop3A_319 = arith.addi %parallel_loop3A_318, %parallel_loop3A_240 : i32
      %parallel_loop3A_320 = arith.index_cast %parallel_loop3A_319 : i32 to index
      %parallel_loop3A_321 = arith.constant 112 : index
      %parallel_loop3A_322 = tpu.vector_load %arg7[%parallel_loop3A_320, %parallel_loop3A_321] {strides = array<i32>} : memref<256x128xf32, #tpu.memory_space<vmem>>, vector<1x16xf32>,
      %parallel_loop3A_323 = vector.shape_cast %parallel_loop3A_322 : vector<1x16xf32> to vector<16xf32>
      %parallel_loop3A_324 = arith.index_cast %parallel_loop3A_240 : i32 to index
      %parallel_loop3A_325 = arith.constant 112 : index
      %parallel_loop3A_326 = tpu.vector_load %arg8[%parallel_loop3A_324, %parallel_loop3A_325] {strides = array<i32>} : memref<128x128xf32, #tpu.memory_space<vmem>>, vector<1x16xf32>,
      %parallel_loop3A_327 = vector.shape_cast %parallel_loop3A_326 : vector<1x16xf32> to vector<16xf32>
      %parallel_loop3A_328 = vector.shape_cast %parallel_loop3A_323 : vector<16xf32> to vector<1x16xf32>
      tpu.vector_store %arg8[%parallel_loop3A_324, %parallel_loop3A_325], %parallel_loop3A_328 {add = true, strides = array<i32>} : memref<128x128xf32, #tpu.memory_space<vmem>>, vector<1x16xf32>,
    } {sc.loop_unroll_factor = 4 : i64, sc.parallel_access}
    %add3A_46 = arith.constant 0 : i32
    %add3A_47 = arith.addi %add3A_46, %mul3A_2 : i32
    %add3A_48 = arith.constant 0 : i32
    %add3A_49 = arith.addi %add3A_47, %add3A_48 : i32
    %dma_start3A_50 = arith.constant 0 : i32
    %dma_start3A_51 = tpu.memref_slice %arg5[%add3A_49, %dma_start3A_50] : memref<32768x128xf32, #tpu.memory_space<hbm>> -> memref<128x128xf32, #tpu.memory_space<hbm>>
    %dma_start3A_52 = arith.constant 0 : i32
    %dma_start3A_53 = tpu.memref_slice %arg5[%add3A_49, %dma_start3A_52] : memref<32768x128xf32, #tpu.memory_space<hbm>> -> memref<128x128xf32, #tpu.memory_space<hbm>>
    tpu.enqueue_dma source(%arg8 : memref<128x128xf32, #tpu.memory_space<vmem>>) target(%dma_start3A_53 : memref<128x128xf32, #tpu.memory_space<hbm>>) target_semaphore(%arg13 : memref<!tpu.dma_semaphore, #tpu.memory_space<semaphore_mem>>)
    %dma_start3A_54 = arith.constant 4 : i32
    %dma_start3A_55 = arith.constant 0 : i32
    %dma_start3A_56 = tpu.memref_slice %arg6[%dma_start3A_54, %dma_start3A_55] : memref<8x128xi32, #tpu.memory_space<vmem>> -> memref<1x128xi32, #tpu.memory_space<vmem>>
    %dma_start3A_57 = tpu.memref_squeeze %dma_start3A_56 : memref<1x128xi32, #tpu.memory_space<vmem>> -> memref<128xi32, #tpu.memory_space<vmem>>
    %dma_start3A_58 = arith.constant 0 : i32
    %dma_start3A_59 = arith.constant 0 : i32
    %dma_start3A_60 = tpu.memref_slice %arg3[%dma_start3A_58, %dma_start3A_59] : memref<100000x128xf32, #tpu.memory_space<hbm>> -> memref<100000x128xf32, #tpu.memory_space<hbm>>
    tpu.enqueue_indirect_dma source(%dma_start3A_60 : memref<100000x128xf32, #tpu.memory_space<hbm>>) target(%arg12 : memref<128x128xf32, #tpu.memory_space<vmem>>) offsets(%dma_start3A_57 : memref<128xi32, #tpu.memory_space<vmem>>) semaphore(%arg18 : memref<!tpu.dma_semaphore, #tpu.memory_space<semaphore_mem>>)
    %dma_wait3A_61 = arith.constant 1 : i32
    %dma_wait3A_62 = arith.constant 0 : i32
    %dma_wait3A_63 = tpu.memref_slice %arg6[%dma_wait3A_61, %dma_wait3A_62] : memref<8x128xi32, #tpu.memory_space<vmem>> -> memref<1x128xi32, #tpu.memory_space<vmem>>
    %dma_wait3A_64 = tpu.memref_squeeze %dma_wait3A_63 : memref<1x128xi32, #tpu.memory_space<vmem>> -> memref<128xi32, #tpu.memory_space<vmem>>
    %dma_wait3A_65 = arith.constant 0 : i32
    %dma_wait3A_66 = arith.constant 0 : i32
    %dma_wait3A_67 = tpu.memref_slice %arg3[%dma_wait3A_65, %dma_wait3A_66] : memref<100000x128xf32, #tpu.memory_space<hbm>> -> memref<100000x128xf32, #tpu.memory_space<hbm>>
    tpu.wait_indirect_dma semaphore(%arg19 : memref<!tpu.dma_semaphore, #tpu.memory_space<semaphore_mem>>) src(%dma_wait3A_67 : memref<100000x128xf32, #tpu.memory_space<hbm>>) dst(%arg9 : memref<128x128xf32, #tpu.memory_space<vmem>>)
    %parallel_loop3A_68 = arith.constant 0 : i32
    %parallel_loop3A_69 = arith.constant 128 : i32
    %parallel_loop3A_70 = arith.constant 1 : i32
    scf.for %parallel_loop3A_240 = %parallel_loop3A_68 to %parallel_loop3A_69 step %parallel_loop3A_70  : i32 {
      %parallel_loop3A_241 = arith.constant 128 : i32
      %parallel_loop3A_242 = arith.addi %parallel_loop3A_241, %parallel_loop3A_240 : i32
      %parallel_loop3A_243 = arith.index_cast %parallel_loop3A_242 : i32 to index
      %parallel_loop3A_244 = arith.constant 0 : index
      %parallel_loop3A_245 = tpu.vector_load %arg7[%parallel_loop3A_243, %parallel_loop3A_244] {strides = array<i32>} : memref<256x128xf32, #tpu.memory_space<vmem>>, vector<1x16xf32>,
      %parallel_loop3A_246 = vector.shape_cast %parallel_loop3A_245 : vector<1x16xf32> to vector<16xf32>
      %parallel_loop3A_247 = arith.index_cast %parallel_loop3A_240 : i32 to index
      %parallel_loop3A_248 = arith.constant 0 : index
      %parallel_loop3A_249 = tpu.vector_load %arg9[%parallel_loop3A_247, %parallel_loop3A_248] {strides = array<i32>} : memref<128x128xf32, #tpu.memory_space<vmem>>, vector<1x16xf32>,
      %parallel_loop3A_250 = vector.shape_cast %parallel_loop3A_249 : vector<1x16xf32> to vector<16xf32>
      %parallel_loop3A_251 = vector.shape_cast %parallel_loop3A_246 : vector<16xf32> to vector<1x16xf32>
      tpu.vector_store %arg9[%parallel_loop3A_247, %parallel_loop3A_248], %parallel_loop3A_251 {add = true, strides = array<i32>} : memref<128x128xf32, #tpu.memory_space<vmem>>, vector<1x16xf32>,
      %parallel_loop3A_252 = arith.constant 128 : i32
      %parallel_loop3A_253 = arith.addi %parallel_loop3A_252, %parallel_loop3A_240 : i32
      %parallel_loop3A_254 = arith.index_cast %parallel_loop3A_253 : i32 to index
      %parallel_loop3A_255 = arith.constant 16 : index
      %parallel_loop3A_256 = tpu.vector_load %arg7[%parallel_loop3A_254, %parallel_loop3A_255] {strides = array<i32>} : memref<256x128xf32, #tpu.memory_space<vmem>>, vector<1x16xf32>,
      %parallel_loop3A_257 = vector.shape_cast %parallel_loop3A_256 : vector<1x16xf32> to vector<16xf32>
      %parallel_loop3A_258 = arith.index_cast %parallel_loop3A_240 : i32 to index
      %parallel_loop3A_259 = arith.constant 16 : index
      %parallel_loop3A_260 = tpu.vector_load %arg9[%parallel_loop3A_258, %parallel_loop3A_259] {strides = array<i32>} : memref<128x128xf32, #tpu.memory_space<vmem>>, vector<1x16xf32>,
      %parallel_loop3A_261 = vector.shape_cast %parallel_loop3A_260 : vector<1x16xf32> to vector<16xf32>
      %parallel_loop3A_262 = vector.shape_cast %parallel_loop3A_257 : vector<16xf32> to vector<1x16xf32>
      tpu.vector_store %arg9[%parallel_loop3A_258, %parallel_loop3A_259], %parallel_loop3A_262 {add = true, strides = array<i32>} : memref<128x128xf32, #tpu.memory_space<vmem>>, vector<1x16xf32>,
      %parallel_loop3A_263 = arith.constant 128 : i32
      %parallel_loop3A_264 = arith.addi %parallel_loop3A_263, %parallel_loop3A_240 : i32
      %parallel_loop3A_265 = arith.index_cast %parallel_loop3A_264 : i32 to index
      %parallel_loop3A_266 = arith.constant 32 : index
      %parallel_loop3A_267 = tpu.vector_load %arg7[%parallel_loop3A_265, %parallel_loop3A_266] {strides = array<i32>} : memref<256x128xf32, #tpu.memory_space<vmem>>, vector<1x16xf32>,
      %parallel_loop3A_268 = vector.shape_cast %parallel_loop3A_267 : vector<1x16xf32> to vector<16xf32>
      %parallel_loop3A_269 = arith.index_cast %parallel_loop3A_240 : i32 to index
      %parallel_loop3A_270 = arith.constant 32 : index
      %parallel_loop3A_271 = tpu.vector_load %arg9[%parallel_loop3A_269, %parallel_loop3A_270] {strides = array<i32>} : memref<128x128xf32, #tpu.memory_space<vmem>>, vector<1x16xf32>,
      %parallel_loop3A_272 = vector.shape_cast %parallel_loop3A_271 : vector<1x16xf32> to vector<16xf32>
      %parallel_loop3A_273 = vector.shape_cast %parallel_loop3A_268 : vector<16xf32> to vector<1x16xf32>
      tpu.vector_store %arg9[%parallel_loop3A_269, %parallel_loop3A_270], %parallel_loop3A_273 {add = true, strides = array<i32>} : memref<128x128xf32, #tpu.memory_space<vmem>>, vector<1x16xf32>,
      %parallel_loop3A_274 = arith.constant 128 : i32
      %parallel_loop3A_275 = arith.addi %parallel_loop3A_274, %parallel_loop3A_240 : i32
      %parallel_loop3A_276 = arith.index_cast %parallel_loop3A_275 : i32 to index
      %parallel_loop3A_277 = arith.constant 48 : index
      %parallel_loop3A_278 = tpu.vector_load %arg7[%parallel_loop3A_276, %parallel_loop3A_277] {strides = array<i32>} : memref<256x128xf32, #tpu.memory_space<vmem>>, vector<1x16xf32>,
      %parallel_loop3A_279 = vector.shape_cast %parallel_loop3A_278 : vector<1x16xf32> to vector<16xf32>
      %parallel_loop3A_280 = arith.index_cast %parallel_loop3A_240 : i32 to index
      %parallel_loop3A_281 = arith.constant 48 : index
      %parallel_loop3A_282 = tpu.vector_load %arg9[%parallel_loop3A_280, %parallel_loop3A_281] {strides = array<i32>} : memref<128x128xf32, #tpu.memory_space<vmem>>, vector<1x16xf32>,
      %parallel_loop3A_283 = vector.shape_cast %parallel_loop3A_282 : vector<1x16xf32> to vector<16xf32>
      %parallel_loop3A_284 = vector.shape_cast %parallel_loop3A_279 : vector<16xf32> to vector<1x16xf32>
      tpu.vector_store %arg9[%parallel_loop3A_280, %parallel_loop3A_281], %parallel_loop3A_284 {add = true, strides = array<i32>} : memref<128x128xf32, #tpu.memory_space<vmem>>, vector<1x16xf32>,
      %parallel_loop3A_285 = arith.constant 128 : i32
      %parallel_loop3A_286 = arith.addi %parallel_loop3A_285, %parallel_loop3A_240 : i32
      %parallel_loop3A_287 = arith.index_cast %parallel_loop3A_286 : i32 to index
      %parallel_loop3A_288 = arith.constant 64 : index
      %parallel_loop3A_289 = tpu.vector_load %arg7[%parallel_loop3A_287, %parallel_loop3A_288] {strides = array<i32>} : memref<256x128xf32, #tpu.memory_space<vmem>>, vector<1x16xf32>,
      %parallel_loop3A_290 = vector.shape_cast %parallel_loop3A_289 : vector<1x16xf32> to vector<16xf32>
      %parallel_loop3A_291 = arith.index_cast %parallel_loop3A_240 : i32 to index
      %parallel_loop3A_292 = arith.constant 64 : index
      %parallel_loop3A_293 = tpu.vector_load %arg9[%parallel_loop3A_291, %parallel_loop3A_292] {strides = array<i32>} : memref<128x128xf32, #tpu.memory_space<vmem>>, vector<1x16xf32>,
      %parallel_loop3A_294 = vector.shape_cast %parallel_loop3A_293 : vector<1x16xf32> to vector<16xf32>
      %parallel_loop3A_295 = vector.shape_cast %parallel_loop3A_290 : vector<16xf32> to vector<1x16xf32>
      tpu.vector_store %arg9[%parallel_loop3A_291, %parallel_loop3A_292], %parallel_loop3A_295 {add = true, strides = array<i32>} : memref<128x128xf32, #tpu.memory_space<vmem>>, vector<1x16xf32>,
      %parallel_loop3A_296 = arith.constant 128 : i32
      %parallel_loop3A_297 = arith.addi %parallel_loop3A_296, %parallel_loop3A_240 : i32
      %parallel_loop3A_298 = arith.index_cast %parallel_loop3A_297 : i32 to index
      %parallel_loop3A_299 = arith.constant 80 : index
      %parallel_loop3A_300 = tpu.vector_load %arg7[%parallel_loop3A_298, %parallel_loop3A_299] {strides = array<i32>} : memref<256x128xf32, #tpu.memory_space<vmem>>, vector<1x16xf32>,
      %parallel_loop3A_301 = vector.shape_cast %parallel_loop3A_300 : vector<1x16xf32> to vector<16xf32>
      %parallel_loop3A_302 = arith.index_cast %parallel_loop3A_240 : i32 to index
      %parallel_loop3A_303 = arith.constant 80 : index
      %parallel_loop3A_304 = tpu.vector_load %arg9[%parallel_loop3A_302, %parallel_loop3A_303] {strides = array<i32>} : memref<128x128xf32, #tpu.memory_space<vmem>>, vector<1x16xf32>,
      %parallel_loop3A_305 = vector.shape_cast %parallel_loop3A_304 : vector<1x16xf32> to vector<16xf32>
      %parallel_loop3A_306 = vector.shape_cast %parallel_loop3A_301 : vector<16xf32> to vector<1x16xf32>
      tpu.vector_store %arg9[%parallel_loop3A_302, %parallel_loop3A_303], %parallel_loop3A_306 {add = true, strides = array<i32>} : memref<128x128xf32, #tpu.memory_space<vmem>>, vector<1x16xf32>,
      %parallel_loop3A_307 = arith.constant 128 : i32
      %parallel_loop3A_308 = arith.addi %parallel_loop3A_307, %parallel_loop3A_240 : i32
      %parallel_loop3A_309 = arith.index_cast %parallel_loop3A_308 : i32 to index
      %parallel_loop3A_310 = arith.constant 96 : index
      %parallel_loop3A_311 = tpu.vector_load %arg7[%parallel_loop3A_309, %parallel_loop3A_310] {strides = array<i32>} : memref<256x128xf32, #tpu.memory_space<vmem>>, vector<1x16xf32>,
      %parallel_loop3A_312 = vector.shape_cast %parallel_loop3A_311 : vector<1x16xf32> to vector<16xf32>
      %parallel_loop3A_313 = arith.index_cast %parallel_loop3A_240 : i32 to index
      %parallel_loop3A_314 = arith.constant 96 : index
      %parallel_loop3A_315 = tpu.vector_load %arg9[%parallel_loop3A_313, %parallel_loop3A_314] {strides = array<i32>} : memref<128x128xf32, #tpu.memory_space<vmem>>, vector<1x16xf32>,
      %parallel_loop3A_316 = vector.shape_cast %parallel_loop3A_315 : vector<1x16xf32> to vector<16xf32>
      %parallel_loop3A_317 = vector.shape_cast %parallel_loop3A_312 : vector<16xf32> to vector<1x16xf32>
      tpu.vector_store %arg9[%parallel_loop3A_313, %parallel_loop3A_314], %parallel_loop3A_317 {add = true, strides = array<i32>} : memref<128x128xf32, #tpu.memory_space<vmem>>, vector<1x16xf32>,
      %parallel_loop3A_318 = arith.constant 128 : i32
      %parallel_loop3A_319 = arith.addi %parallel_loop3A_318, %parallel_loop3A_240 : i32
      %parallel_loop3A_320 = arith.index_cast %parallel_loop3A_319 : i32 to index
      %parallel_loop3A_321 = arith.constant 112 : index
      %parallel_loop3A_322 = tpu.vector_load %arg7[%parallel_loop3A_320, %parallel_loop3A_321] {strides = array<i32>} : memref<256x128xf32, #tpu.memory_space<vmem>>, vector<1x16xf32>,
      %parallel_loop3A_323 = vector.shape_cast %parallel_loop3A_322 : vector<1x16xf32> to vector<16xf32>
      %parallel_loop3A_324 = arith.index_cast %parallel_loop3A_240 : i32 to index
      %parallel_loop3A_325 = arith.constant 112 : index
      %parallel_loop3A_326 = tpu.vector_load %arg9[%parallel_loop3A_324, %parallel_loop3A_325] {strides = array<i32>} : memref<128x128xf32, #tpu.memory_space<vmem>>, vector<1x16xf32>,
      %parallel_loop3A_327 = vector.shape_cast %parallel_loop3A_326 : vector<1x16xf32> to vector<16xf32>
      %parallel_loop3A_328 = vector.shape_cast %parallel_loop3A_323 : vector<16xf32> to vector<1x16xf32>
      tpu.vector_store %arg9[%parallel_loop3A_324, %parallel_loop3A_325], %parallel_loop3A_328 {add = true, strides = array<i32>} : memref<128x128xf32, #tpu.memory_space<vmem>>, vector<1x16xf32>,
    } {sc.loop_unroll_factor = 4 : i64, sc.parallel_access}
    %add3A_71 = arith.constant 0 : i32
    %add3A_72 = arith.addi %add3A_71, %mul3A_2 : i32
    %add3A_73 = arith.constant 128 : i32
    %add3A_74 = arith.addi %add3A_72, %add3A_73 : i32
    %dma_start3A_75 = arith.constant 0 : i32
    %dma_start3A_76 = tpu.memref_slice %arg5[%add3A_74, %dma_start3A_75] : memref<32768x128xf32, #tpu.memory_space<hbm>> -> memref<128x128xf32, #tpu.memory_space<hbm>>
    %dma_start3A_77 = arith.constant 0 : i32
    %dma_start3A_78 = tpu.memref_slice %arg5[%add3A_74, %dma_start3A_77] : memref<32768x128xf32, #tpu.memory_space<hbm>> -> memref<128x128xf32, #tpu.memory_space<hbm>>
    tpu.enqueue_dma source(%arg9 : memref<128x128xf32, #tpu.memory_space<vmem>>) target(%dma_start3A_78 : memref<128x128xf32, #tpu.memory_space<hbm>>) target_semaphore(%arg14 : memref<!tpu.dma_semaphore, #tpu.memory_space<semaphore_mem>>)
    %dma_wait3A_79 = arith.constant 0 : i32
    %dma_wait3A_80 = tpu.memref_slice %arg5[%add3A_49, %dma_wait3A_79] : memref<32768x128xf32, #tpu.memory_space<hbm>> -> memref<128x128xf32, #tpu.memory_space<hbm>>
    %dma_wait3A_81 = arith.constant 0 : i32
    %dma_wait3A_82 = tpu.memref_slice %arg5[%add3A_49, %dma_wait3A_81] : memref<32768x128xf32, #tpu.memory_space<hbm>> -> memref<128x128xf32, #tpu.memory_space<hbm>>
    tpu.wait_dma2 semaphore(%arg13 : memref<!tpu.dma_semaphore, #tpu.memory_space<semaphore_mem>>) src(%arg8 : memref<128x128xf32, #tpu.memory_space<vmem>>) dst(%dma_wait3A_82 : memref<128x128xf32, #tpu.memory_space<hbm>>)
    %dma_start3A_83 = arith.constant 5 : i32
    %dma_start3A_84 = arith.constant 0 : i32
    %dma_start3A_85 = tpu.memref_slice %arg6[%dma_start3A_83, %dma_start3A_84] : memref<8x128xi32, #tpu.memory_space<vmem>> -> memref<1x128xi32, #tpu.memory_space<vmem>>
    %dma_start3A_86 = tpu.memref_squeeze %dma_start3A_85 : memref<1x128xi32, #tpu.memory_space<vmem>> -> memref<128xi32, #tpu.memory_space<vmem>>
    %dma_start3A_87 = arith.constant 0 : i32
    %dma_start3A_88 = arith.constant 0 : i32
    %dma_start3A_89 = tpu.memref_slice %arg3[%dma_start3A_87, %dma_start3A_88] : memref<100000x128xf32, #tpu.memory_space<hbm>> -> memref<100000x128xf32, #tpu.memory_space<hbm>>
    tpu.enqueue_indirect_dma source(%dma_start3A_89 : memref<100000x128xf32, #tpu.memory_space<hbm>>) target(%arg8 : memref<128x128xf32, #tpu.memory_space<vmem>>) offsets(%dma_start3A_86 : memref<128xi32, #tpu.memory_space<vmem>>) semaphore(%arg19 : memref<!tpu.dma_semaphore, #tpu.memory_space<semaphore_mem>>)
    %dma_wait3A_90 = arith.constant 2 : i32
    %dma_wait3A_91 = arith.constant 0 : i32
    %dma_wait3A_92 = tpu.memref_slice %arg6[%dma_wait3A_90, %dma_wait3A_91] : memref<8x128xi32, #tpu.memory_space<vmem>> -> memref<1x128xi32, #tpu.memory_space<vmem>>
    %dma_wait3A_93 = tpu.memref_squeeze %dma_wait3A_92 : memref<1x128xi32, #tpu.memory_space<vmem>> -> memref<128xi32, #tpu.memory_space<vmem>>
    %dma_wait3A_94 = arith.constant 0 : i32
    %dma_wait3A_95 = arith.constant 0 : i32
    %dma_wait3A_96 = tpu.memref_slice %arg3[%dma_wait3A_94, %dma_wait3A_95] : memref<100000x128xf32, #tpu.memory_space<hbm>> -> memref<100000x128xf32, #tpu.memory_space<hbm>>
    tpu.wait_indirect_dma semaphore(%arg20 : memref<!tpu.dma_semaphore, #tpu.memory_space<semaphore_mem>>) src(%dma_wait3A_96 : memref<100000x128xf32, #tpu.memory_space<hbm>>) dst(%arg10 : memref<128x128xf32, #tpu.memory_space<vmem>>)
    %parallel_loop3A_97 = arith.constant 0 : i32
    %parallel_loop3A_98 = arith.constant 128 : i32
    %parallel_loop3A_99 = arith.constant 1 : i32
    scf.for %parallel_loop3A_240 = %parallel_loop3A_97 to %parallel_loop3A_98 step %parallel_loop3A_99  : i32 {
      %parallel_loop3A_241 = arith.constant 0 : i32
      %parallel_loop3A_242 = arith.addi %parallel_loop3A_241, %parallel_loop3A_240 : i32
      %parallel_loop3A_243 = arith.index_cast %parallel_loop3A_242 : i32 to index
      %parallel_loop3A_244 = arith.constant 0 : index
      %parallel_loop3A_245 = tpu.vector_load %arg7[%parallel_loop3A_243, %parallel_loop3A_244] {strides = array<i32>} : memref<256x128xf32, #tpu.memory_space<vmem>>, vector<1x16xf32>,
      %parallel_loop3A_246 = vector.shape_cast %parallel_loop3A_245 : vector<1x16xf32> to vector<16xf32>
      %parallel_loop3A_247 = arith.index_cast %parallel_loop3A_240 : i32 to index
      %parallel_loop3A_248 = arith.constant 0 : index
      %parallel_loop3A_249 = tpu.vector_load %arg10[%parallel_loop3A_247, %parallel_loop3A_248] {strides = array<i32>} : memref<128x128xf32, #tpu.memory_space<vmem>>, vector<1x16xf32>,
      %parallel_loop3A_250 = vector.shape_cast %parallel_loop3A_249 : vector<1x16xf32> to vector<16xf32>
      %parallel_loop3A_251 = vector.shape_cast %parallel_loop3A_246 : vector<16xf32> to vector<1x16xf32>
      tpu.vector_store %arg10[%parallel_loop3A_247, %parallel_loop3A_248], %parallel_loop3A_251 {add = true, strides = array<i32>} : memref<128x128xf32, #tpu.memory_space<vmem>>, vector<1x16xf32>,
      %parallel_loop3A_252 = arith.constant 0 : i32
      %parallel_loop3A_253 = arith.addi %parallel_loop3A_252, %parallel_loop3A_240 : i32
      %parallel_loop3A_254 = arith.index_cast %parallel_loop3A_253 : i32 to index
      %parallel_loop3A_255 = arith.constant 16 : index
      %parallel_loop3A_256 = tpu.vector_load %arg7[%parallel_loop3A_254, %parallel_loop3A_255] {strides = array<i32>} : memref<256x128xf32, #tpu.memory_space<vmem>>, vector<1x16xf32>,
      %parallel_loop3A_257 = vector.shape_cast %parallel_loop3A_256 : vector<1x16xf32> to vector<16xf32>
      %parallel_loop3A_258 = arith.index_cast %parallel_loop3A_240 : i32 to index
      %parallel_loop3A_259 = arith.constant 16 : index
      %parallel_loop3A_260 = tpu.vector_load %arg10[%parallel_loop3A_258, %parallel_loop3A_259] {strides = array<i32>} : memref<128x128xf32, #tpu.memory_space<vmem>>, vector<1x16xf32>,
      %parallel_loop3A_261 = vector.shape_cast %parallel_loop3A_260 : vector<1x16xf32> to vector<16xf32>
      %parallel_loop3A_262 = vector.shape_cast %parallel_loop3A_257 : vector<16xf32> to vector<1x16xf32>
      tpu.vector_store %arg10[%parallel_loop3A_258, %parallel_loop3A_259], %parallel_loop3A_262 {add = true, strides = array<i32>} : memref<128x128xf32, #tpu.memory_space<vmem>>, vector<1x16xf32>,
      %parallel_loop3A_263 = arith.constant 0 : i32
      %parallel_loop3A_264 = arith.addi %parallel_loop3A_263, %parallel_loop3A_240 : i32
      %parallel_loop3A_265 = arith.index_cast %parallel_loop3A_264 : i32 to index
      %parallel_loop3A_266 = arith.constant 32 : index
      %parallel_loop3A_267 = tpu.vector_load %arg7[%parallel_loop3A_265, %parallel_loop3A_266] {strides = array<i32>} : memref<256x128xf32, #tpu.memory_space<vmem>>, vector<1x16xf32>,
      %parallel_loop3A_268 = vector.shape_cast %parallel_loop3A_267 : vector<1x16xf32> to vector<16xf32>
      %parallel_loop3A_269 = arith.index_cast %parallel_loop3A_240 : i32 to index
      %parallel_loop3A_270 = arith.constant 32 : index
      %parallel_loop3A_271 = tpu.vector_load %arg10[%parallel_loop3A_269, %parallel_loop3A_270] {strides = array<i32>} : memref<128x128xf32, #tpu.memory_space<vmem>>, vector<1x16xf32>,
      %parallel_loop3A_272 = vector.shape_cast %parallel_loop3A_271 : vector<1x16xf32> to vector<16xf32>
      %parallel_loop3A_273 = vector.shape_cast %parallel_loop3A_268 : vector<16xf32> to vector<1x16xf32>
      tpu.vector_store %arg10[%parallel_loop3A_269, %parallel_loop3A_270], %parallel_loop3A_273 {add = true, strides = array<i32>} : memref<128x128xf32, #tpu.memory_space<vmem>>, vector<1x16xf32>,
      %parallel_loop3A_274 = arith.constant 0 : i32
      %parallel_loop3A_275 = arith.addi %parallel_loop3A_274, %parallel_loop3A_240 : i32
      %parallel_loop3A_276 = arith.index_cast %parallel_loop3A_275 : i32 to index
      %parallel_loop3A_277 = arith.constant 48 : index
      %parallel_loop3A_278 = tpu.vector_load %arg7[%parallel_loop3A_276, %parallel_loop3A_277] {strides = array<i32>} : memref<256x128xf32, #tpu.memory_space<vmem>>, vector<1x16xf32>,
      %parallel_loop3A_279 = vector.shape_cast %parallel_loop3A_278 : vector<1x16xf32> to vector<16xf32>
      %parallel_loop3A_280 = arith.index_cast %parallel_loop3A_240 : i32 to index
      %parallel_loop3A_281 = arith.constant 48 : index
      %parallel_loop3A_282 = tpu.vector_load %arg10[%parallel_loop3A_280, %parallel_loop3A_281] {strides = array<i32>} : memref<128x128xf32, #tpu.memory_space<vmem>>, vector<1x16xf32>,
      %parallel_loop3A_283 = vector.shape_cast %parallel_loop3A_282 : vector<1x16xf32> to vector<16xf32>
      %parallel_loop3A_284 = vector.shape_cast %parallel_loop3A_279 : vector<16xf32> to vector<1x16xf32>
      tpu.vector_store %arg10[%parallel_loop3A_280, %parallel_loop3A_281], %parallel_loop3A_284 {add = true, strides = array<i32>} : memref<128x128xf32, #tpu.memory_space<vmem>>, vector<1x16xf32>,
      %parallel_loop3A_285 = arith.constant 0 : i32
      %parallel_loop3A_286 = arith.addi %parallel_loop3A_285, %parallel_loop3A_240 : i32
      %parallel_loop3A_287 = arith.index_cast %parallel_loop3A_286 : i32 to index
      %parallel_loop3A_288 = arith.constant 64 : index
      %parallel_loop3A_289 = tpu.vector_load %arg7[%parallel_loop3A_287, %parallel_loop3A_288] {strides = array<i32>} : memref<256x128xf32, #tpu.memory_space<vmem>>, vector<1x16xf32>,
      %parallel_loop3A_290 = vector.shape_cast %parallel_loop3A_289 : vector<1x16xf32> to vector<16xf32>
      %parallel_loop3A_291 = arith.index_cast %parallel_loop3A_240 : i32 to index
      %parallel_loop3A_292 = arith.constant 64 : index
      %parallel_loop3A_293 = tpu.vector_load %arg10[%parallel_loop3A_291, %parallel_loop3A_292] {strides = array<i32>} : memref<128x128xf32, #tpu.memory_space<vmem>>, vector<1x16xf32>,
      %parallel_loop3A_294 = vector.shape_cast %parallel_loop3A_293 : vector<1x16xf32> to vector<16xf32>
      %parallel_loop3A_295 = vector.shape_cast %parallel_loop3A_290 : vector<16xf32> to vector<1x16xf32>
      tpu.vector_store %arg10[%parallel_loop3A_291, %parallel_loop3A_292], %parallel_loop3A_295 {add = true, strides = array<i32>} : memref<128x128xf32, #tpu.memory_space<vmem>>, vector<1x16xf32>,
      %parallel_loop3A_296 = arith.constant 0 : i32
      %parallel_loop3A_297 = arith.addi %parallel_loop3A_296, %parallel_loop3A_240 : i32
      %parallel_loop3A_298 = arith.index_cast %parallel_loop3A_297 : i32 to index
      %parallel_loop3A_299 = arith.constant 80 : index
      %parallel_loop3A_300 = tpu.vector_load %arg7[%parallel_loop3A_298, %parallel_loop3A_299] {strides = array<i32>} : memref<256x128xf32, #tpu.memory_space<vmem>>, vector<1x16xf32>,
      %parallel_loop3A_301 = vector.shape_cast %parallel_loop3A_300 : vector<1x16xf32> to vector<16xf32>
      %parallel_loop3A_302 = arith.index_cast %parallel_loop3A_240 : i32 to index
      %parallel_loop3A_303 = arith.constant 80 : index
      %parallel_loop3A_304 = tpu.vector_load %arg10[%parallel_loop3A_302, %parallel_loop3A_303] {strides = array<i32>} : memref<128x128xf32, #tpu.memory_space<vmem>>, vector<1x16xf32>,
      %parallel_loop3A_305 = vector.shape_cast %parallel_loop3A_304 : vector<1x16xf32> to vector<16xf32>
      %parallel_loop3A_306 = vector.shape_cast %parallel_loop3A_301 : vector<16xf32> to vector<1x16xf32>
      tpu.vector_store %arg10[%parallel_loop3A_302, %parallel_loop3A_303], %parallel_loop3A_306 {add = true, strides = array<i32>} : memref<128x128xf32, #tpu.memory_space<vmem>>, vector<1x16xf32>,
      %parallel_loop3A_307 = arith.constant 0 : i32
      %parallel_loop3A_308 = arith.addi %parallel_loop3A_307, %parallel_loop3A_240 : i32
      %parallel_loop3A_309 = arith.index_cast %parallel_loop3A_308 : i32 to index
      %parallel_loop3A_310 = arith.constant 96 : index
      %parallel_loop3A_311 = tpu.vector_load %arg7[%parallel_loop3A_309, %parallel_loop3A_310] {strides = array<i32>} : memref<256x128xf32, #tpu.memory_space<vmem>>, vector<1x16xf32>,
      %parallel_loop3A_312 = vector.shape_cast %parallel_loop3A_311 : vector<1x16xf32> to vector<16xf32>
      %parallel_loop3A_313 = arith.index_cast %parallel_loop3A_240 : i32 to index
      %parallel_loop3A_314 = arith.constant 96 : index
      %parallel_loop3A_315 = tpu.vector_load %arg10[%parallel_loop3A_313, %parallel_loop3A_314] {strides = array<i32>} : memref<128x128xf32, #tpu.memory_space<vmem>>, vector<1x16xf32>,
      %parallel_loop3A_316 = vector.shape_cast %parallel_loop3A_315 : vector<1x16xf32> to vector<16xf32>
      %parallel_loop3A_317 = vector.shape_cast %parallel_loop3A_312 : vector<16xf32> to vector<1x16xf32>
      tpu.vector_store %arg10[%parallel_loop3A_313, %parallel_loop3A_314], %parallel_loop3A_317 {add = true, strides = array<i32>} : memref<128x128xf32, #tpu.memory_space<vmem>>, vector<1x16xf32>,
      %parallel_loop3A_318 = arith.constant 0 : i32
      %parallel_loop3A_319 = arith.addi %parallel_loop3A_318, %parallel_loop3A_240 : i32
      %parallel_loop3A_320 = arith.index_cast %parallel_loop3A_319 : i32 to index
      %parallel_loop3A_321 = arith.constant 112 : index
      %parallel_loop3A_322 = tpu.vector_load %arg7[%parallel_loop3A_320, %parallel_loop3A_321] {strides = array<i32>} : memref<256x128xf32, #tpu.memory_space<vmem>>, vector<1x16xf32>,
      %parallel_loop3A_323 = vector.shape_cast %parallel_loop3A_322 : vector<1x16xf32> to vector<16xf32>
      %parallel_loop3A_324 = arith.index_cast %parallel_loop3A_240 : i32 to index
      %parallel_loop3A_325 = arith.constant 112 : index
      %parallel_loop3A_326 = tpu.vector_load %arg10[%parallel_loop3A_324, %parallel_loop3A_325] {strides = array<i32>} : memref<128x128xf32, #tpu.memory_space<vmem>>, vector<1x16xf32>,
      %parallel_loop3A_327 = vector.shape_cast %parallel_loop3A_326 : vector<1x16xf32> to vector<16xf32>
      %parallel_loop3A_328 = vector.shape_cast %parallel_loop3A_323 : vector<16xf32> to vector<1x16xf32>
      tpu.vector_store %arg10[%parallel_loop3A_324, %parallel_loop3A_325], %parallel_loop3A_328 {add = true, strides = array<i32>} : memref<128x128xf32, #tpu.memory_space<vmem>>, vector<1x16xf32>,
    } {sc.loop_unroll_factor = 4 : i64, sc.parallel_access}
    %add3A_100 = arith.constant 8192 : i32
    %add3A_101 = arith.addi %add3A_100, %mul3A_2 : i32
    %add3A_102 = arith.constant 0 : i32
    %add3A_103 = arith.addi %add3A_101, %add3A_102 : i32
    %dma_start3A_104 = arith.constant 0 : i32
    %dma_start3A_105 = tpu.memref_slice %arg5[%add3A_103, %dma_start3A_104] : memref<32768x128xf32, #tpu.memory_space<hbm>> -> memref<128x128xf32, #tpu.memory_space<hbm>>
    %dma_start3A_106 = arith.constant 0 : i32
    %dma_start3A_107 = tpu.memref_slice %arg5[%add3A_103, %dma_start3A_106] : memref<32768x128xf32, #tpu.memory_space<hbm>> -> memref<128x128xf32, #tpu.memory_space<hbm>>
    tpu.enqueue_dma source(%arg10 : memref<128x128xf32, #tpu.memory_space<vmem>>) target(%dma_start3A_107 : memref<128x128xf32, #tpu.memory_space<hbm>>) target_semaphore(%arg15 : memref<!tpu.dma_semaphore, #tpu.memory_space<semaphore_mem>>)
    %dma_wait3A_108 = arith.constant 0 : i32
    %dma_wait3A_109 = tpu.memref_slice %arg5[%add3A_74, %dma_wait3A_108] : memref<32768x128xf32, #tpu.memory_space<hbm>> -> memref<128x128xf32, #tpu.memory_space<hbm>>
    %dma_wait3A_110 = arith.constant 0 : i32
    %dma_wait3A_111 = tpu.memref_slice %arg5[%add3A_74, %dma_wait3A_110] : memref<32768x128xf32, #tpu.memory_space<hbm>> -> memref<128x128xf32, #tpu.memory_space<hbm>>
    tpu.wait_dma2 semaphore(%arg14 : memref<!tpu.dma_semaphore, #tpu.memory_space<semaphore_mem>>) src(%arg9 : memref<128x128xf32, #tpu.memory_space<vmem>>) dst(%dma_wait3A_111 : memref<128x128xf32, #tpu.memory_space<hbm>>)
    %dma_start3A_112 = arith.constant 6 : i32
    %dma_start3A_113 = arith.constant 0 : i32
    %dma_start3A_114 = tpu.memref_slice %arg6[%dma_start3A_112, %dma_start3A_113] : memref<8x128xi32, #tpu.memory_space<vmem>> -> memref<1x128xi32, #tpu.memory_space<vmem>>
    %dma_start3A_115 = tpu.memref_squeeze %dma_start3A_114 : memref<1x128xi32, #tpu.memory_space<vmem>> -> memref<128xi32, #tpu.memory_space<vmem>>
    %dma_start3A_116 = arith.constant 0 : i32
    %dma_start3A_117 = arith.constant 0 : i32
    %dma_start3A_118 = tpu.memref_slice %arg3[%dma_start3A_116, %dma_start3A_117] : memref<100000x128xf32, #tpu.memory_space<hbm>> -> memref<100000x128xf32, #tpu.memory_space<hbm>>
    tpu.enqueue_indirect_dma source(%dma_start3A_118 : memref<100000x128xf32, #tpu.memory_space<hbm>>) target(%arg9 : memref<128x128xf32, #tpu.memory_space<vmem>>) offsets(%dma_start3A_115 : memref<128xi32, #tpu.memory_space<vmem>>) semaphore(%arg20 : memref<!tpu.dma_semaphore, #tpu.memory_space<semaphore_mem>>)
    %dma_wait3A_119 = arith.constant 3 : i32
    %dma_wait3A_120 = arith.constant 0 : i32
    %dma_wait3A_121 = tpu.memref_slice %arg6[%dma_wait3A_119, %dma_wait3A_120] : memref<8x128xi32, #tpu.memory_space<vmem>> -> memref<1x128xi32, #tpu.memory_space<vmem>>
    %dma_wait3A_122 = tpu.memref_squeeze %dma_wait3A_121 : memref<1x128xi32, #tpu.memory_space<vmem>> -> memref<128xi32, #tpu.memory_space<vmem>>
    %dma_wait3A_123 = arith.constant 0 : i32
    %dma_wait3A_124 = arith.constant 0 : i32
    %dma_wait3A_125 = tpu.memref_slice %arg3[%dma_wait3A_123, %dma_wait3A_124] : memref<100000x128xf32, #tpu.memory_space<hbm>> -> memref<100000x128xf32, #tpu.memory_space<hbm>>
    tpu.wait_indirect_dma semaphore(%arg21 : memref<!tpu.dma_semaphore, #tpu.memory_space<semaphore_mem>>) src(%dma_wait3A_125 : memref<100000x128xf32, #tpu.memory_space<hbm>>) dst(%arg11 : memref<128x128xf32, #tpu.memory_space<vmem>>)
    %parallel_loop3A_126 = arith.constant 0 : i32
    %parallel_loop3A_127 = arith.constant 128 : i32
    %parallel_loop3A_128 = arith.constant 1 : i32
    scf.for %parallel_loop3A_240 = %parallel_loop3A_126 to %parallel_loop3A_127 step %parallel_loop3A_128  : i32 {
      %parallel_loop3A_241 = arith.constant 128 : i32
      %parallel_loop3A_242 = arith.addi %parallel_loop3A_241, %parallel_loop3A_240 : i32
      %parallel_loop3A_243 = arith.index_cast %parallel_loop3A_242 : i32 to index
      %parallel_loop3A_244 = arith.constant 0 : index
      %parallel_loop3A_245 = tpu.vector_load %arg7[%parallel_loop3A_243, %parallel_loop3A_244] {strides = array<i32>} : memref<256x128xf32, #tpu.memory_space<vmem>>, vector<1x16xf32>,
      %parallel_loop3A_246 = vector.shape_cast %parallel_loop3A_245 : vector<1x16xf32> to vector<16xf32>
      %parallel_loop3A_247 = arith.index_cast %parallel_loop3A_240 : i32 to index
      %parallel_loop3A_248 = arith.constant 0 : index
      %parallel_loop3A_249 = tpu.vector_load %arg11[%parallel_loop3A_247, %parallel_loop3A_248] {strides = array<i32>} : memref<128x128xf32, #tpu.memory_space<vmem>>, vector<1x16xf32>,
      %parallel_loop3A_250 = vector.shape_cast %parallel_loop3A_249 : vector<1x16xf32> to vector<16xf32>
      %parallel_loop3A_251 = vector.shape_cast %parallel_loop3A_246 : vector<16xf32> to vector<1x16xf32>
      tpu.vector_store %arg11[%parallel_loop3A_247, %parallel_loop3A_248], %parallel_loop3A_251 {add = true, strides = array<i32>} : memref<128x128xf32, #tpu.memory_space<vmem>>, vector<1x16xf32>,
      %parallel_loop3A_252 = arith.constant 128 : i32
      %parallel_loop3A_253 = arith.addi %parallel_loop3A_252, %parallel_loop3A_240 : i32
      %parallel_loop3A_254 = arith.index_cast %parallel_loop3A_253 : i32 to index
      %parallel_loop3A_255 = arith.constant 16 : index
      %parallel_loop3A_256 = tpu.vector_load %arg7[%parallel_loop3A_254, %parallel_loop3A_255] {strides = array<i32>} : memref<256x128xf32, #tpu.memory_space<vmem>>, vector<1x16xf32>,
      %parallel_loop3A_257 = vector.shape_cast %parallel_loop3A_256 : vector<1x16xf32> to vector<16xf32>
      %parallel_loop3A_258 = arith.index_cast %parallel_loop3A_240 : i32 to index
      %parallel_loop3A_259 = arith.constant 16 : index
      %parallel_loop3A_260 = tpu.vector_load %arg11[%parallel_loop3A_258, %parallel_loop3A_259] {strides = array<i32>} : memref<128x128xf32, #tpu.memory_space<vmem>>, vector<1x16xf32>,
      %parallel_loop3A_261 = vector.shape_cast %parallel_loop3A_260 : vector<1x16xf32> to vector<16xf32>
      %parallel_loop3A_262 = vector.shape_cast %parallel_loop3A_257 : vector<16xf32> to vector<1x16xf32>
      tpu.vector_store %arg11[%parallel_loop3A_258, %parallel_loop3A_259], %parallel_loop3A_262 {add = true, strides = array<i32>} : memref<128x128xf32, #tpu.memory_space<vmem>>, vector<1x16xf32>,
      %parallel_loop3A_263 = arith.constant 128 : i32
      %parallel_loop3A_264 = arith.addi %parallel_loop3A_263, %parallel_loop3A_240 : i32
      %parallel_loop3A_265 = arith.index_cast %parallel_loop3A_264 : i32 to index
      %parallel_loop3A_266 = arith.constant 32 : index
      %parallel_loop3A_267 = tpu.vector_load %arg7[%parallel_loop3A_265, %parallel_loop3A_266] {strides = array<i32>} : memref<256x128xf32, #tpu.memory_space<vmem>>, vector<1x16xf32>,
      %parallel_loop3A_268 = vector.shape_cast %parallel_loop3A_267 : vector<1x16xf32> to vector<16xf32>
      %parallel_loop3A_269 = arith.index_cast %parallel_loop3A_240 : i32 to index
      %parallel_loop3A_270 = arith.constant 32 : index
      %parallel_loop3A_271 = tpu.vector_load %arg11[%parallel_loop3A_269, %parallel_loop3A_270] {strides = array<i32>} : memref<128x128xf32, #tpu.memory_space<vmem>>, vector<1x16xf32>,
      %parallel_loop3A_272 = vector.shape_cast %parallel_loop3A_271 : vector<1x16xf32> to vector<16xf32>
      %parallel_loop3A_273 = vector.shape_cast %parallel_loop3A_268 : vector<16xf32> to vector<1x16xf32>
      tpu.vector_store %arg11[%parallel_loop3A_269, %parallel_loop3A_270], %parallel_loop3A_273 {add = true, strides = array<i32>} : memref<128x128xf32, #tpu.memory_space<vmem>>, vector<1x16xf32>,
      %parallel_loop3A_274 = arith.constant 128 : i32
      %parallel_loop3A_275 = arith.addi %parallel_loop3A_274, %parallel_loop3A_240 : i32
      %parallel_loop3A_276 = arith.index_cast %parallel_loop3A_275 : i32 to index
      %parallel_loop3A_277 = arith.constant 48 : index
      %parallel_loop3A_278 = tpu.vector_load %arg7[%parallel_loop3A_276, %parallel_loop3A_277] {strides = array<i32>} : memref<256x128xf32, #tpu.memory_space<vmem>>, vector<1x16xf32>,
      %parallel_loop3A_279 = vector.shape_cast %parallel_loop3A_278 : vector<1x16xf32> to vector<16xf32>
      %parallel_loop3A_280 = arith.index_cast %parallel_loop3A_240 : i32 to index
      %parallel_loop3A_281 = arith.constant 48 : index
      %parallel_loop3A_282 = tpu.vector_load %arg11[%parallel_loop3A_280, %parallel_loop3A_281] {strides = array<i32>} : memref<128x128xf32, #tpu.memory_space<vmem>>, vector<1x16xf32>,
      %parallel_loop3A_283 = vector.shape_cast %parallel_loop3A_282 : vector<1x16xf32> to vector<16xf32>
      %parallel_loop3A_284 = vector.shape_cast %parallel_loop3A_279 : vector<16xf32> to vector<1x16xf32>
      tpu.vector_store %arg11[%parallel_loop3A_280, %parallel_loop3A_281], %parallel_loop3A_284 {add = true, strides = array<i32>} : memref<128x128xf32, #tpu.memory_space<vmem>>, vector<1x16xf32>,
      %parallel_loop3A_285 = arith.constant 128 : i32
      %parallel_loop3A_286 = arith.addi %parallel_loop3A_285, %parallel_loop3A_240 : i32
      %parallel_loop3A_287 = arith.index_cast %parallel_loop3A_286 : i32 to index
      %parallel_loop3A_288 = arith.constant 64 : index
      %parallel_loop3A_289 = tpu.vector_load %arg7[%parallel_loop3A_287, %parallel_loop3A_288] {strides = array<i32>} : memref<256x128xf32, #tpu.memory_space<vmem>>, vector<1x16xf32>,
      %parallel_loop3A_290 = vector.shape_cast %parallel_loop3A_289 : vector<1x16xf32> to vector<16xf32>
      %parallel_loop3A_291 = arith.index_cast %parallel_loop3A_240 : i32 to index
      %parallel_loop3A_292 = arith.constant 64 : index
      %parallel_loop3A_293 = tpu.vector_load %arg11[%parallel_loop3A_291, %parallel_loop3A_292] {strides = array<i32>} : memref<128x128xf32, #tpu.memory_space<vmem>>, vector<1x16xf32>,
      %parallel_loop3A_294 = vector.shape_cast %parallel_loop3A_293 : vector<1x16xf32> to vector<16xf32>
      %parallel_loop3A_295 = vector.shape_cast %parallel_loop3A_290 : vector<16xf32> to vector<1x16xf32>
      tpu.vector_store %arg11[%parallel_loop3A_291, %parallel_loop3A_292], %parallel_loop3A_295 {add = true, strides = array<i32>} : memref<128x128xf32, #tpu.memory_space<vmem>>, vector<1x16xf32>,
      %parallel_loop3A_296 = arith.constant 128 : i32
      %parallel_loop3A_297 = arith.addi %parallel_loop3A_296, %parallel_loop3A_240 : i32
      %parallel_loop3A_298 = arith.index_cast %parallel_loop3A_297 : i32 to index
      %parallel_loop3A_299 = arith.constant 80 : index
      %parallel_loop3A_300 = tpu.vector_load %arg7[%parallel_loop3A_298, %parallel_loop3A_299] {strides = array<i32>} : memref<256x128xf32, #tpu.memory_space<vmem>>, vector<1x16xf32>,
      %parallel_loop3A_301 = vector.shape_cast %parallel_loop3A_300 : vector<1x16xf32> to vector<16xf32>
      %parallel_loop3A_302 = arith.index_cast %parallel_loop3A_240 : i32 to index
      %parallel_loop3A_303 = arith.constant 80 : index
      %parallel_loop3A_304 = tpu.vector_load %arg11[%parallel_loop3A_302, %parallel_loop3A_303] {strides = array<i32>} : memref<128x128xf32, #tpu.memory_space<vmem>>, vector<1x16xf32>,
      %parallel_loop3A_305 = vector.shape_cast %parallel_loop3A_304 : vector<1x16xf32> to vector<16xf32>
      %parallel_loop3A_306 = vector.shape_cast %parallel_loop3A_301 : vector<16xf32> to vector<1x16xf32>
      tpu.vector_store %arg11[%parallel_loop3A_302, %parallel_loop3A_303], %parallel_loop3A_306 {add = true, strides = array<i32>} : memref<128x128xf32, #tpu.memory_space<vmem>>, vector<1x16xf32>,
      %parallel_loop3A_307 = arith.constant 128 : i32
      %parallel_loop3A_308 = arith.addi %parallel_loop3A_307, %parallel_loop3A_240 : i32
      %parallel_loop3A_309 = arith.index_cast %parallel_loop3A_308 : i32 to index
      %parallel_loop3A_310 = arith.constant 96 : index
      %parallel_loop3A_311 = tpu.vector_load %arg7[%parallel_loop3A_309, %parallel_loop3A_310] {strides = array<i32>} : memref<256x128xf32, #tpu.memory_space<vmem>>, vector<1x16xf32>,
      %parallel_loop3A_312 = vector.shape_cast %parallel_loop3A_311 : vector<1x16xf32> to vector<16xf32>
      %parallel_loop3A_313 = arith.index_cast %parallel_loop3A_240 : i32 to index
      %parallel_loop3A_314 = arith.constant 96 : index
      %parallel_loop3A_315 = tpu.vector_load %arg11[%parallel_loop3A_313, %parallel_loop3A_314] {strides = array<i32>} : memref<128x128xf32, #tpu.memory_space<vmem>>, vector<1x16xf32>,
      %parallel_loop3A_316 = vector.shape_cast %parallel_loop3A_315 : vector<1x16xf32> to vector<16xf32>
      %parallel_loop3A_317 = vector.shape_cast %parallel_loop3A_312 : vector<16xf32> to vector<1x16xf32>
      tpu.vector_store %arg11[%parallel_loop3A_313, %parallel_loop3A_314], %parallel_loop3A_317 {add = true, strides = array<i32>} : memref<128x128xf32, #tpu.memory_space<vmem>>, vector<1x16xf32>,
      %parallel_loop3A_318 = arith.constant 128 : i32
      %parallel_loop3A_319 = arith.addi %parallel_loop3A_318, %parallel_loop3A_240 : i32
      %parallel_loop3A_320 = arith.index_cast %parallel_loop3A_319 : i32 to index
      %parallel_loop3A_321 = arith.constant 112 : index
      %parallel_loop3A_322 = tpu.vector_load %arg7[%parallel_loop3A_320, %parallel_loop3A_321] {strides = array<i32>} : memref<256x128xf32, #tpu.memory_space<vmem>>, vector<1x16xf32>,
      %parallel_loop3A_323 = vector.shape_cast %parallel_loop3A_322 : vector<1x16xf32> to vector<16xf32>
      %parallel_loop3A_324 = arith.index_cast %parallel_loop3A_240 : i32 to index
      %parallel_loop3A_325 = arith.constant 112 : index
      %parallel_loop3A_326 = tpu.vector_load %arg11[%parallel_loop3A_324, %parallel_loop3A_325] {strides = array<i32>} : memref<128x128xf32, #tpu.memory_space<vmem>>, vector<1x16xf32>,
      %parallel_loop3A_327 = vector.shape_cast %parallel_loop3A_326 : vector<1x16xf32> to vector<16xf32>
      %parallel_loop3A_328 = vector.shape_cast %parallel_loop3A_323 : vector<16xf32> to vector<1x16xf32>
      tpu.vector_store %arg11[%parallel_loop3A_324, %parallel_loop3A_325], %parallel_loop3A_328 {add = true, strides = array<i32>} : memref<128x128xf32, #tpu.memory_space<vmem>>, vector<1x16xf32>,
    } {sc.loop_unroll_factor = 4 : i64, sc.parallel_access}
    %add3A_129 = arith.constant 8192 : i32
    %add3A_130 = arith.addi %add3A_129, %mul3A_2 : i32
    %add3A_131 = arith.constant 128 : i32
    %add3A_132 = arith.addi %add3A_130, %add3A_131 : i32
    %dma_start3A_133 = arith.constant 0 : i32
    %dma_start3A_134 = tpu.memref_slice %arg5[%add3A_132, %dma_start3A_133] : memref<32768x128xf32, #tpu.memory_space<hbm>> -> memref<128x128xf32, #tpu.memory_space<hbm>>
    %dma_start3A_135 = arith.constant 0 : i32
    %dma_start3A_136 = tpu.memref_slice %arg5[%add3A_132, %dma_start3A_135] : memref<32768x128xf32, #tpu.memory_space<hbm>> -> memref<128x128xf32, #tpu.memory_space<hbm>>
    tpu.enqueue_dma source(%arg11 : memref<128x128xf32, #tpu.memory_space<vmem>>) target(%dma_start3A_136 : memref<128x128xf32, #tpu.memory_space<hbm>>) target_semaphore(%arg16 : memref<!tpu.dma_semaphore, #tpu.memory_space<semaphore_mem>>)
    %dma_wait3A_137 = arith.constant 0 : i32
    %dma_wait3A_138 = tpu.memref_slice %arg5[%add3A_103, %dma_wait3A_137] : memref<32768x128xf32, #tpu.memory_space<hbm>> -> memref<128x128xf32, #tpu.memory_space<hbm>>
    %dma_wait3A_139 = arith.constant 0 : i32
    %dma_wait3A_140 = tpu.memref_slice %arg5[%add3A_103, %dma_wait3A_139] : memref<32768x128xf32, #tpu.memory_space<hbm>> -> memref<128x128xf32, #tpu.memory_space<hbm>>
    tpu.wait_dma2 semaphore(%arg15 : memref<!tpu.dma_semaphore, #tpu.memory_space<semaphore_mem>>) src(%arg10 : memref<128x128xf32, #tpu.memory_space<vmem>>) dst(%dma_wait3A_140 : memref<128x128xf32, #tpu.memory_space<hbm>>)
    %dma_start3A_141 = arith.constant 7 : i32
    %dma_start3A_142 = arith.constant 0 : i32
    %dma_start3A_143 = tpu.memref_slice %arg6[%dma_start3A_141, %dma_start3A_142] : memref<8x128xi32, #tpu.memory_space<vmem>> -> memref<1x128xi32, #tpu.memory_space<vmem>>
    %dma_start3A_144 = tpu.memref_squeeze %dma_start3A_143 : memref<1x128xi32, #tpu.memory_space<vmem>> -> memref<128xi32, #tpu.memory_space<vmem>>
    %dma_start3A_145 = arith.constant 0 : i32
    %dma_start3A_146 = arith.constant 0 : i32
    %dma_start3A_147 = tpu.memref_slice %arg3[%dma_start3A_145, %dma_start3A_146] : memref<100000x128xf32, #tpu.memory_space<hbm>> -> memref<100000x128xf32, #tpu.memory_space<hbm>>
    tpu.enqueue_indirect_dma source(%dma_start3A_147 : memref<100000x128xf32, #tpu.memory_space<hbm>>) target(%arg10 : memref<128x128xf32, #tpu.memory_space<vmem>>) offsets(%dma_start3A_144 : memref<128xi32, #tpu.memory_space<vmem>>) semaphore(%arg21 : memref<!tpu.dma_semaphore, #tpu.memory_space<semaphore_mem>>)
    %dma_wait3A_148 = arith.constant 4 : i32
    %dma_wait3A_149 = arith.constant 0 : i32
    %dma_wait3A_150 = tpu.memref_slice %arg6[%dma_wait3A_148, %dma_wait3A_149] : memref<8x128xi32, #tpu.memory_space<vmem>> -> memref<1x128xi32, #tpu.memory_space<vmem>>
    %dma_wait3A_151 = tpu.memref_squeeze %dma_wait3A_150 : memref<1x128xi32, #tpu.memory_space<vmem>> -> memref<128xi32, #tpu.memory_space<vmem>>
    %dma_wait3A_152 = arith.constant 0 : i32
    %dma_wait3A_153 = arith.constant 0 : i32
    %dma_wait3A_154 = tpu.memref_slice %arg3[%dma_wait3A_152, %dma_wait3A_153] : memref<100000x128xf32, #tpu.memory_space<hbm>> -> memref<100000x128xf32, #tpu.memory_space<hbm>>
    tpu.wait_indirect_dma semaphore(%arg18 : memref<!tpu.dma_semaphore, #tpu.memory_space<semaphore_mem>>) src(%dma_wait3A_154 : memref<100000x128xf32, #tpu.memory_space<hbm>>) dst(%arg12 : memref<128x128xf32, #tpu.memory_space<vmem>>)
    %parallel_loop3A_155 = arith.constant 0 : i32
    %parallel_loop3A_156 = arith.constant 128 : i32
    %parallel_loop3A_157 = arith.constant 1 : i32
    scf.for %parallel_loop3A_240 = %parallel_loop3A_155 to %parallel_loop3A_156 step %parallel_loop3A_157  : i32 {
      %parallel_loop3A_241 = arith.constant 0 : i32
      %parallel_loop3A_242 = arith.addi %parallel_loop3A_241, %parallel_loop3A_240 : i32
      %parallel_loop3A_243 = arith.index_cast %parallel_loop3A_242 : i32 to index
      %parallel_loop3A_244 = arith.constant 0 : index
      %parallel_loop3A_245 = tpu.vector_load %arg7[%parallel_loop3A_243, %parallel_loop3A_244] {strides = array<i32>} : memref<256x128xf32, #tpu.memory_space<vmem>>, vector<1x16xf32>,
      %parallel_loop3A_246 = vector.shape_cast %parallel_loop3A_245 : vector<1x16xf32> to vector<16xf32>
      %parallel_loop3A_247 = arith.index_cast %parallel_loop3A_240 : i32 to index
      %parallel_loop3A_248 = arith.constant 0 : index
      %parallel_loop3A_249 = tpu.vector_load %arg12[%parallel_loop3A_247, %parallel_loop3A_248] {strides = array<i32>} : memref<128x128xf32, #tpu.memory_space<vmem>>, vector<1x16xf32>,
      %parallel_loop3A_250 = vector.shape_cast %parallel_loop3A_249 : vector<1x16xf32> to vector<16xf32>
      %parallel_loop3A_251 = vector.shape_cast %parallel_loop3A_246 : vector<16xf32> to vector<1x16xf32>
      tpu.vector_store %arg12[%parallel_loop3A_247, %parallel_loop3A_248], %parallel_loop3A_251 {add = true, strides = array<i32>} : memref<128x128xf32, #tpu.memory_space<vmem>>, vector<1x16xf32>,
      %parallel_loop3A_252 = arith.constant 0 : i32
      %parallel_loop3A_253 = arith.addi %parallel_loop3A_252, %parallel_loop3A_240 : i32
      %parallel_loop3A_254 = arith.index_cast %parallel_loop3A_253 : i32 to index
      %parallel_loop3A_255 = arith.constant 16 : index
      %parallel_loop3A_256 = tpu.vector_load %arg7[%parallel_loop3A_254, %parallel_loop3A_255] {strides = array<i32>} : memref<256x128xf32, #tpu.memory_space<vmem>>, vector<1x16xf32>,
      %parallel_loop3A_257 = vector.shape_cast %parallel_loop3A_256 : vector<1x16xf32> to vector<16xf32>
      %parallel_loop3A_258 = arith.index_cast %parallel_loop3A_240 : i32 to index
      %parallel_loop3A_259 = arith.constant 16 : index
      %parallel_loop3A_260 = tpu.vector_load %arg12[%parallel_loop3A_258, %parallel_loop3A_259] {strides = array<i32>} : memref<128x128xf32, #tpu.memory_space<vmem>>, vector<1x16xf32>,
      %parallel_loop3A_261 = vector.shape_cast %parallel_loop3A_260 : vector<1x16xf32> to vector<16xf32>
      %parallel_loop3A_262 = vector.shape_cast %parallel_loop3A_257 : vector<16xf32> to vector<1x16xf32>
      tpu.vector_store %arg12[%parallel_loop3A_258, %parallel_loop3A_259], %parallel_loop3A_262 {add = true, strides = array<i32>} : memref<128x128xf32, #tpu.memory_space<vmem>>, vector<1x16xf32>,
      %parallel_loop3A_263 = arith.constant 0 : i32
      %parallel_loop3A_264 = arith.addi %parallel_loop3A_263, %parallel_loop3A_240 : i32
      %parallel_loop3A_265 = arith.index_cast %parallel_loop3A_264 : i32 to index
      %parallel_loop3A_266 = arith.constant 32 : index
      %parallel_loop3A_267 = tpu.vector_load %arg7[%parallel_loop3A_265, %parallel_loop3A_266] {strides = array<i32>} : memref<256x128xf32, #tpu.memory_space<vmem>>, vector<1x16xf32>,
      %parallel_loop3A_268 = vector.shape_cast %parallel_loop3A_267 : vector<1x16xf32> to vector<16xf32>
      %parallel_loop3A_269 = arith.index_cast %parallel_loop3A_240 : i32 to index
      %parallel_loop3A_270 = arith.constant 32 : index
      %parallel_loop3A_271 = tpu.vector_load %arg12[%parallel_loop3A_269, %parallel_loop3A_270] {strides = array<i32>} : memref<128x128xf32, #tpu.memory_space<vmem>>, vector<1x16xf32>,
      %parallel_loop3A_272 = vector.shape_cast %parallel_loop3A_271 : vector<1x16xf32> to vector<16xf32>
      %parallel_loop3A_273 = vector.shape_cast %parallel_loop3A_268 : vector<16xf32> to vector<1x16xf32>
      tpu.vector_store %arg12[%parallel_loop3A_269, %parallel_loop3A_270], %parallel_loop3A_273 {add = true, strides = array<i32>} : memref<128x128xf32, #tpu.memory_space<vmem>>, vector<1x16xf32>,
      %parallel_loop3A_274 = arith.constant 0 : i32
      %parallel_loop3A_275 = arith.addi %parallel_loop3A_274, %parallel_loop3A_240 : i32
      %parallel_loop3A_276 = arith.index_cast %parallel_loop3A_275 : i32 to index
      %parallel_loop3A_277 = arith.constant 48 : index
      %parallel_loop3A_278 = tpu.vector_load %arg7[%parallel_loop3A_276, %parallel_loop3A_277] {strides = array<i32>} : memref<256x128xf32, #tpu.memory_space<vmem>>, vector<1x16xf32>,
      %parallel_loop3A_279 = vector.shape_cast %parallel_loop3A_278 : vector<1x16xf32> to vector<16xf32>
      %parallel_loop3A_280 = arith.index_cast %parallel_loop3A_240 : i32 to index
      %parallel_loop3A_281 = arith.constant 48 : index
      %parallel_loop3A_282 = tpu.vector_load %arg12[%parallel_loop3A_280, %parallel_loop3A_281] {strides = array<i32>} : memref<128x128xf32, #tpu.memory_space<vmem>>, vector<1x16xf32>,
      %parallel_loop3A_283 = vector.shape_cast %parallel_loop3A_282 : vector<1x16xf32> to vector<16xf32>
      %parallel_loop3A_284 = vector.shape_cast %parallel_loop3A_279 : vector<16xf32> to vector<1x16xf32>
      tpu.vector_store %arg12[%parallel_loop3A_280, %parallel_loop3A_281], %parallel_loop3A_284 {add = true, strides = array<i32>} : memref<128x128xf32, #tpu.memory_space<vmem>>, vector<1x16xf32>,
      %parallel_loop3A_285 = arith.constant 0 : i32
      %parallel_loop3A_286 = arith.addi %parallel_loop3A_285, %parallel_loop3A_240 : i32
      %parallel_loop3A_287 = arith.index_cast %parallel_loop3A_286 : i32 to index
      %parallel_loop3A_288 = arith.constant 64 : index
      %parallel_loop3A_289 = tpu.vector_load %arg7[%parallel_loop3A_287, %parallel_loop3A_288] {strides = array<i32>} : memref<256x128xf32, #tpu.memory_space<vmem>>, vector<1x16xf32>,
      %parallel_loop3A_290 = vector.shape_cast %parallel_loop3A_289 : vector<1x16xf32> to vector<16xf32>
      %parallel_loop3A_291 = arith.index_cast %parallel_loop3A_240 : i32 to index
      %parallel_loop3A_292 = arith.constant 64 : index
      %parallel_loop3A_293 = tpu.vector_load %arg12[%parallel_loop3A_291, %parallel_loop3A_292] {strides = array<i32>} : memref<128x128xf32, #tpu.memory_space<vmem>>, vector<1x16xf32>,
      %parallel_loop3A_294 = vector.shape_cast %parallel_loop3A_293 : vector<1x16xf32> to vector<16xf32>
      %parallel_loop3A_295 = vector.shape_cast %parallel_loop3A_290 : vector<16xf32> to vector<1x16xf32>
      tpu.vector_store %arg12[%parallel_loop3A_291, %parallel_loop3A_292], %parallel_loop3A_295 {add = true, strides = array<i32>} : memref<128x128xf32, #tpu.memory_space<vmem>>, vector<1x16xf32>,
      %parallel_loop3A_296 = arith.constant 0 : i32
      %parallel_loop3A_297 = arith.addi %parallel_loop3A_296, %parallel_loop3A_240 : i32
      %parallel_loop3A_298 = arith.index_cast %parallel_loop3A_297 : i32 to index
      %parallel_loop3A_299 = arith.constant 80 : index
      %parallel_loop3A_300 = tpu.vector_load %arg7[%parallel_loop3A_298, %parallel_loop3A_299] {strides = array<i32>} : memref<256x128xf32, #tpu.memory_space<vmem>>, vector<1x16xf32>,
      %parallel_loop3A_301 = vector.shape_cast %parallel_loop3A_300 : vector<1x16xf32> to vector<16xf32>
      %parallel_loop3A_302 = arith.index_cast %parallel_loop3A_240 : i32 to index
      %parallel_loop3A_303 = arith.constant 80 : index
      %parallel_loop3A_304 = tpu.vector_load %arg12[%parallel_loop3A_302, %parallel_loop3A_303] {strides = array<i32>} : memref<128x128xf32, #tpu.memory_space<vmem>>, vector<1x16xf32>,
      %parallel_loop3A_305 = vector.shape_cast %parallel_loop3A_304 : vector<1x16xf32> to vector<16xf32>
      %parallel_loop3A_306 = vector.shape_cast %parallel_loop3A_301 : vector<16xf32> to vector<1x16xf32>
      tpu.vector_store %arg12[%parallel_loop3A_302, %parallel_loop3A_303], %parallel_loop3A_306 {add = true, strides = array<i32>} : memref<128x128xf32, #tpu.memory_space<vmem>>, vector<1x16xf32>,
      %parallel_loop3A_307 = arith.constant 0 : i32
      %parallel_loop3A_308 = arith.addi %parallel_loop3A_307, %parallel_loop3A_240 : i32
      %parallel_loop3A_309 = arith.index_cast %parallel_loop3A_308 : i32 to index
      %parallel_loop3A_310 = arith.constant 96 : index
      %parallel_loop3A_311 = tpu.vector_load %arg7[%parallel_loop3A_309, %parallel_loop3A_310] {strides = array<i32>} : memref<256x128xf32, #tpu.memory_space<vmem>>, vector<1x16xf32>,
      %parallel_loop3A_312 = vector.shape_cast %parallel_loop3A_311 : vector<1x16xf32> to vector<16xf32>
      %parallel_loop3A_313 = arith.index_cast %parallel_loop3A_240 : i32 to index
      %parallel_loop3A_314 = arith.constant 96 : index
      %parallel_loop3A_315 = tpu.vector_load %arg12[%parallel_loop3A_313, %parallel_loop3A_314] {strides = array<i32>} : memref<128x128xf32, #tpu.memory_space<vmem>>, vector<1x16xf32>,
      %parallel_loop3A_316 = vector.shape_cast %parallel_loop3A_315 : vector<1x16xf32> to vector<16xf32>
      %parallel_loop3A_317 = vector.shape_cast %parallel_loop3A_312 : vector<16xf32> to vector<1x16xf32>
      tpu.vector_store %arg12[%parallel_loop3A_313, %parallel_loop3A_314], %parallel_loop3A_317 {add = true, strides = array<i32>} : memref<128x128xf32, #tpu.memory_space<vmem>>, vector<1x16xf32>,
      %parallel_loop3A_318 = arith.constant 0 : i32
      %parallel_loop3A_319 = arith.addi %parallel_loop3A_318, %parallel_loop3A_240 : i32
      %parallel_loop3A_320 = arith.index_cast %parallel_loop3A_319 : i32 to index
      %parallel_loop3A_321 = arith.constant 112 : index
      %parallel_loop3A_322 = tpu.vector_load %arg7[%parallel_loop3A_320, %parallel_loop3A_321] {strides = array<i32>} : memref<256x128xf32, #tpu.memory_space<vmem>>, vector<1x16xf32>,
      %parallel_loop3A_323 = vector.shape_cast %parallel_loop3A_322 : vector<1x16xf32> to vector<16xf32>
      %parallel_loop3A_324 = arith.index_cast %parallel_loop3A_240 : i32 to index
      %parallel_loop3A_325 = arith.constant 112 : index
      %parallel_loop3A_326 = tpu.vector_load %arg12[%parallel_loop3A_324, %parallel_loop3A_325] {strides = array<i32>} : memref<128x128xf32, #tpu.memory_space<vmem>>, vector<1x16xf32>,
      %parallel_loop3A_327 = vector.shape_cast %parallel_loop3A_326 : vector<1x16xf32> to vector<16xf32>
      %parallel_loop3A_328 = vector.shape_cast %parallel_loop3A_323 : vector<16xf32> to vector<1x16xf32>
      tpu.vector_store %arg12[%parallel_loop3A_324, %parallel_loop3A_325], %parallel_loop3A_328 {add = true, strides = array<i32>} : memref<128x128xf32, #tpu.memory_space<vmem>>, vector<1x16xf32>,
    } {sc.loop_unroll_factor = 4 : i64, sc.parallel_access}
    %add3A_158 = arith.constant 16384 : i32
    %add3A_159 = arith.addi %add3A_158, %mul3A_2 : i32
    %add3A_160 = arith.constant 0 : i32
    %add3A_161 = arith.addi %add3A_159, %add3A_160 : i32
    %dma_start3A_162 = arith.constant 0 : i32
    %dma_start3A_163 = tpu.memref_slice %arg5[%add3A_161, %dma_start3A_162] : memref<32768x128xf32, #tpu.memory_space<hbm>> -> memref<128x128xf32, #tpu.memory_space<hbm>>
    %dma_start3A_164 = arith.constant 0 : i32
    %dma_start3A_165 = tpu.memref_slice %arg5[%add3A_161, %dma_start3A_164] : memref<32768x128xf32, #tpu.memory_space<hbm>> -> memref<128x128xf32, #tpu.memory_space<hbm>>
    tpu.enqueue_dma source(%arg12 : memref<128x128xf32, #tpu.memory_space<vmem>>) target(%dma_start3A_165 : memref<128x128xf32, #tpu.memory_space<hbm>>) target_semaphore(%arg17 : memref<!tpu.dma_semaphore, #tpu.memory_space<semaphore_mem>>)
    %dma_wait3A_166 = arith.constant 5 : i32
    %dma_wait3A_167 = arith.constant 0 : i32
    %dma_wait3A_168 = tpu.memref_slice %arg6[%dma_wait3A_166, %dma_wait3A_167] : memref<8x128xi32, #tpu.memory_space<vmem>> -> memref<1x128xi32, #tpu.memory_space<vmem>>
    %dma_wait3A_169 = tpu.memref_squeeze %dma_wait3A_168 : memref<1x128xi32, #tpu.memory_space<vmem>> -> memref<128xi32, #tpu.memory_space<vmem>>
    %dma_wait3A_170 = arith.constant 0 : i32
    %dma_wait3A_171 = arith.constant 0 : i32
    %dma_wait3A_172 = tpu.memref_slice %arg3[%dma_wait3A_170, %dma_wait3A_171] : memref<100000x128xf32, #tpu.memory_space<hbm>> -> memref<100000x128xf32, #tpu.memory_space<hbm>>
    tpu.wait_indirect_dma semaphore(%arg19 : memref<!tpu.dma_semaphore, #tpu.memory_space<semaphore_mem>>) src(%dma_wait3A_172 : memref<100000x128xf32, #tpu.memory_space<hbm>>) dst(%arg8 : memref<128x128xf32, #tpu.memory_space<vmem>>)
    %parallel_loop3A_173 = arith.constant 0 : i32
    %parallel_loop3A_174 = arith.constant 128 : i32
    %parallel_loop3A_175 = arith.constant 1 : i32
    scf.for %parallel_loop3A_240 = %parallel_loop3A_173 to %parallel_loop3A_174 step %parallel_loop3A_175  : i32 {
      %parallel_loop3A_241 = arith.constant 128 : i32
      %parallel_loop3A_242 = arith.addi %parallel_loop3A_241, %parallel_loop3A_240 : i32
      %parallel_loop3A_243 = arith.index_cast %parallel_loop3A_242 : i32 to index
      %parallel_loop3A_244 = arith.constant 0 : index
      %parallel_loop3A_245 = tpu.vector_load %arg7[%parallel_loop3A_243, %parallel_loop3A_244] {strides = array<i32>} : memref<256x128xf32, #tpu.memory_space<vmem>>, vector<1x16xf32>,
      %parallel_loop3A_246 = vector.shape_cast %parallel_loop3A_245 : vector<1x16xf32> to vector<16xf32>
      %parallel_loop3A_247 = arith.index_cast %parallel_loop3A_240 : i32 to index
      %parallel_loop3A_248 = arith.constant 0 : index
      %parallel_loop3A_249 = tpu.vector_load %arg8[%parallel_loop3A_247, %parallel_loop3A_248] {strides = array<i32>} : memref<128x128xf32, #tpu.memory_space<vmem>>, vector<1x16xf32>,
      %parallel_loop3A_250 = vector.shape_cast %parallel_loop3A_249 : vector<1x16xf32> to vector<16xf32>
      %parallel_loop3A_251 = vector.shape_cast %parallel_loop3A_246 : vector<16xf32> to vector<1x16xf32>
      tpu.vector_store %arg8[%parallel_loop3A_247, %parallel_loop3A_248], %parallel_loop3A_251 {add = true, strides = array<i32>} : memref<128x128xf32, #tpu.memory_space<vmem>>, vector<1x16xf32>,
      %parallel_loop3A_252 = arith.constant 128 : i32
      %parallel_loop3A_253 = arith.addi %parallel_loop3A_252, %parallel_loop3A_240 : i32
      %parallel_loop3A_254 = arith.index_cast %parallel_loop3A_253 : i32 to index
      %parallel_loop3A_255 = arith.constant 16 : index
      %parallel_loop3A_256 = tpu.vector_load %arg7[%parallel_loop3A_254, %parallel_loop3A_255] {strides = array<i32>} : memref<256x128xf32, #tpu.memory_space<vmem>>, vector<1x16xf32>,
      %parallel_loop3A_257 = vector.shape_cast %parallel_loop3A_256 : vector<1x16xf32> to vector<16xf32>
      %parallel_loop3A_258 = arith.index_cast %parallel_loop3A_240 : i32 to index
      %parallel_loop3A_259 = arith.constant 16 : index
      %parallel_loop3A_260 = tpu.vector_load %arg8[%parallel_loop3A_258, %parallel_loop3A_259] {strides = array<i32>} : memref<128x128xf32, #tpu.memory_space<vmem>>, vector<1x16xf32>,
      %parallel_loop3A_261 = vector.shape_cast %parallel_loop3A_260 : vector<1x16xf32> to vector<16xf32>
      %parallel_loop3A_262 = vector.shape_cast %parallel_loop3A_257 : vector<16xf32> to vector<1x16xf32>
      tpu.vector_store %arg8[%parallel_loop3A_258, %parallel_loop3A_259], %parallel_loop3A_262 {add = true, strides = array<i32>} : memref<128x128xf32, #tpu.memory_space<vmem>>, vector<1x16xf32>,
      %parallel_loop3A_263 = arith.constant 128 : i32
      %parallel_loop3A_264 = arith.addi %parallel_loop3A_263, %parallel_loop3A_240 : i32
      %parallel_loop3A_265 = arith.index_cast %parallel_loop3A_264 : i32 to index
      %parallel_loop3A_266 = arith.constant 32 : index
      %parallel_loop3A_267 = tpu.vector_load %arg7[%parallel_loop3A_265, %parallel_loop3A_266] {strides = array<i32>} : memref<256x128xf32, #tpu.memory_space<vmem>>, vector<1x16xf32>,
      %parallel_loop3A_268 = vector.shape_cast %parallel_loop3A_267 : vector<1x16xf32> to vector<16xf32>
      %parallel_loop3A_269 = arith.index_cast %parallel_loop3A_240 : i32 to index
      %parallel_loop3A_270 = arith.constant 32 : index
      %parallel_loop3A_271 = tpu.vector_load %arg8[%parallel_loop3A_269, %parallel_loop3A_270] {strides = array<i32>} : memref<128x128xf32, #tpu.memory_space<vmem>>, vector<1x16xf32>,
      %parallel_loop3A_272 = vector.shape_cast %parallel_loop3A_271 : vector<1x16xf32> to vector<16xf32>
      %parallel_loop3A_273 = vector.shape_cast %parallel_loop3A_268 : vector<16xf32> to vector<1x16xf32>
      tpu.vector_store %arg8[%parallel_loop3A_269, %parallel_loop3A_270], %parallel_loop3A_273 {add = true, strides = array<i32>} : memref<128x128xf32, #tpu.memory_space<vmem>>, vector<1x16xf32>,
      %parallel_loop3A_274 = arith.constant 128 : i32
      %parallel_loop3A_275 = arith.addi %parallel_loop3A_274, %parallel_loop3A_240 : i32
      %parallel_loop3A_276 = arith.index_cast %parallel_loop3A_275 : i32 to index
      %parallel_loop3A_277 = arith.constant 48 : index
      %parallel_loop3A_278 = tpu.vector_load %arg7[%parallel_loop3A_276, %parallel_loop3A_277] {strides = array<i32>} : memref<256x128xf32, #tpu.memory_space<vmem>>, vector<1x16xf32>,
      %parallel_loop3A_279 = vector.shape_cast %parallel_loop3A_278 : vector<1x16xf32> to vector<16xf32>
      %parallel_loop3A_280 = arith.index_cast %parallel_loop3A_240 : i32 to index
      %parallel_loop3A_281 = arith.constant 48 : index
      %parallel_loop3A_282 = tpu.vector_load %arg8[%parallel_loop3A_280, %parallel_loop3A_281] {strides = array<i32>} : memref<128x128xf32, #tpu.memory_space<vmem>>, vector<1x16xf32>,
      %parallel_loop3A_283 = vector.shape_cast %parallel_loop3A_282 : vector<1x16xf32> to vector<16xf32>
      %parallel_loop3A_284 = vector.shape_cast %parallel_loop3A_279 : vector<16xf32> to vector<1x16xf32>
      tpu.vector_store %arg8[%parallel_loop3A_280, %parallel_loop3A_281], %parallel_loop3A_284 {add = true, strides = array<i32>} : memref<128x128xf32, #tpu.memory_space<vmem>>, vector<1x16xf32>,
      %parallel_loop3A_285 = arith.constant 128 : i32
      %parallel_loop3A_286 = arith.addi %parallel_loop3A_285, %parallel_loop3A_240 : i32
      %parallel_loop3A_287 = arith.index_cast %parallel_loop3A_286 : i32 to index
      %parallel_loop3A_288 = arith.constant 64 : index
      %parallel_loop3A_289 = tpu.vector_load %arg7[%parallel_loop3A_287, %parallel_loop3A_288] {strides = array<i32>} : memref<256x128xf32, #tpu.memory_space<vmem>>, vector<1x16xf32>,
      %parallel_loop3A_290 = vector.shape_cast %parallel_loop3A_289 : vector<1x16xf32> to vector<16xf32>
      %parallel_loop3A_291 = arith.index_cast %parallel_loop3A_240 : i32 to index
      %parallel_loop3A_292 = arith.constant 64 : index
      %parallel_loop3A_293 = tpu.vector_load %arg8[%parallel_loop3A_291, %parallel_loop3A_292] {strides = array<i32>} : memref<128x128xf32, #tpu.memory_space<vmem>>, vector<1x16xf32>,
      %parallel_loop3A_294 = vector.shape_cast %parallel_loop3A_293 : vector<1x16xf32> to vector<16xf32>
      %parallel_loop3A_295 = vector.shape_cast %parallel_loop3A_290 : vector<16xf32> to vector<1x16xf32>
      tpu.vector_store %arg8[%parallel_loop3A_291, %parallel_loop3A_292], %parallel_loop3A_295 {add = true, strides = array<i32>} : memref<128x128xf32, #tpu.memory_space<vmem>>, vector<1x16xf32>,
      %parallel_loop3A_296 = arith.constant 128 : i32
      %parallel_loop3A_297 = arith.addi %parallel_loop3A_296, %parallel_loop3A_240 : i32
      %parallel_loop3A_298 = arith.index_cast %parallel_loop3A_297 : i32 to index
      %parallel_loop3A_299 = arith.constant 80 : index
      %parallel_loop3A_300 = tpu.vector_load %arg7[%parallel_loop3A_298, %parallel_loop3A_299] {strides = array<i32>} : memref<256x128xf32, #tpu.memory_space<vmem>>, vector<1x16xf32>,
      %parallel_loop3A_301 = vector.shape_cast %parallel_loop3A_300 : vector<1x16xf32> to vector<16xf32>
      %parallel_loop3A_302 = arith.index_cast %parallel_loop3A_240 : i32 to index
      %parallel_loop3A_303 = arith.constant 80 : index
      %parallel_loop3A_304 = tpu.vector_load %arg8[%parallel_loop3A_302, %parallel_loop3A_303] {strides = array<i32>} : memref<128x128xf32, #tpu.memory_space<vmem>>, vector<1x16xf32>,
      %parallel_loop3A_305 = vector.shape_cast %parallel_loop3A_304 : vector<1x16xf32> to vector<16xf32>
      %parallel_loop3A_306 = vector.shape_cast %parallel_loop3A_301 : vector<16xf32> to vector<1x16xf32>
      tpu.vector_store %arg8[%parallel_loop3A_302, %parallel_loop3A_303], %parallel_loop3A_306 {add = true, strides = array<i32>} : memref<128x128xf32, #tpu.memory_space<vmem>>, vector<1x16xf32>,
      %parallel_loop3A_307 = arith.constant 128 : i32
      %parallel_loop3A_308 = arith.addi %parallel_loop3A_307, %parallel_loop3A_240 : i32
      %parallel_loop3A_309 = arith.index_cast %parallel_loop3A_308 : i32 to index
      %parallel_loop3A_310 = arith.constant 96 : index
      %parallel_loop3A_311 = tpu.vector_load %arg7[%parallel_loop3A_309, %parallel_loop3A_310] {strides = array<i32>} : memref<256x128xf32, #tpu.memory_space<vmem>>, vector<1x16xf32>,
      %parallel_loop3A_312 = vector.shape_cast %parallel_loop3A_311 : vector<1x16xf32> to vector<16xf32>
      %parallel_loop3A_313 = arith.index_cast %parallel_loop3A_240 : i32 to index
      %parallel_loop3A_314 = arith.constant 96 : index
      %parallel_loop3A_315 = tpu.vector_load %arg8[%parallel_loop3A_313, %parallel_loop3A_314] {strides = array<i32>} : memref<128x128xf32, #tpu.memory_space<vmem>>, vector<1x16xf32>,
      %parallel_loop3A_316 = vector.shape_cast %parallel_loop3A_315 : vector<1x16xf32> to vector<16xf32>
      %parallel_loop3A_317 = vector.shape_cast %parallel_loop3A_312 : vector<16xf32> to vector<1x16xf32>
      tpu.vector_store %arg8[%parallel_loop3A_313, %parallel_loop3A_314], %parallel_loop3A_317 {add = true, strides = array<i32>} : memref<128x128xf32, #tpu.memory_space<vmem>>, vector<1x16xf32>,
      %parallel_loop3A_318 = arith.constant 128 : i32
      %parallel_loop3A_319 = arith.addi %parallel_loop3A_318, %parallel_loop3A_240 : i32
      %parallel_loop3A_320 = arith.index_cast %parallel_loop3A_319 : i32 to index
      %parallel_loop3A_321 = arith.constant 112 : index
      %parallel_loop3A_322 = tpu.vector_load %arg7[%parallel_loop3A_320, %parallel_loop3A_321] {strides = array<i32>} : memref<256x128xf32, #tpu.memory_space<vmem>>, vector<1x16xf32>,
      %parallel_loop3A_323 = vector.shape_cast %parallel_loop3A_322 : vector<1x16xf32> to vector<16xf32>
      %parallel_loop3A_324 = arith.index_cast %parallel_loop3A_240 : i32 to index
      %parallel_loop3A_325 = arith.constant 112 : index
      %parallel_loop3A_326 = tpu.vector_load %arg8[%parallel_loop3A_324, %parallel_loop3A_325] {strides = array<i32>} : memref<128x128xf32, #tpu.memory_space<vmem>>, vector<1x16xf32>,
      %parallel_loop3A_327 = vector.shape_cast %parallel_loop3A_326 : vector<1x16xf32> to vector<16xf32>
      %parallel_loop3A_328 = vector.shape_cast %parallel_loop3A_323 : vector<16xf32> to vector<1x16xf32>
      tpu.vector_store %arg8[%parallel_loop3A_324, %parallel_loop3A_325], %parallel_loop3A_328 {add = true, strides = array<i32>} : memref<128x128xf32, #tpu.memory_space<vmem>>, vector<1x16xf32>,
    } {sc.loop_unroll_factor = 4 : i64, sc.parallel_access}
    %add3A_176 = arith.constant 16384 : i32
    %add3A_177 = arith.addi %add3A_176, %mul3A_2 : i32
    %add3A_178 = arith.constant 128 : i32
    %add3A_179 = arith.addi %add3A_177, %add3A_178 : i32
    %dma_start3A_180 = arith.constant 0 : i32
    %dma_start3A_181 = tpu.memref_slice %arg5[%add3A_179, %dma_start3A_180] : memref<32768x128xf32, #tpu.memory_space<hbm>> -> memref<128x128xf32, #tpu.memory_space<hbm>>
    %dma_start3A_182 = arith.constant 0 : i32
    %dma_start3A_183 = tpu.memref_slice %arg5[%add3A_179, %dma_start3A_182] : memref<32768x128xf32, #tpu.memory_space<hbm>> -> memref<128x128xf32, #tpu.memory_space<hbm>>
    tpu.enqueue_dma source(%arg8 : memref<128x128xf32, #tpu.memory_space<vmem>>) target(%dma_start3A_183 : memref<128x128xf32, #tpu.memory_space<hbm>>) target_semaphore(%arg13 : memref<!tpu.dma_semaphore, #tpu.memory_space<semaphore_mem>>)
    %dma_wait3A_184 = arith.constant 6 : i32
    %dma_wait3A_185 = arith.constant 0 : i32
    %dma_wait3A_186 = tpu.memref_slice %arg6[%dma_wait3A_184, %dma_wait3A_185] : memref<8x128xi32, #tpu.memory_space<vmem>> -> memref<1x128xi32, #tpu.memory_space<vmem>>
    %dma_wait3A_187 = tpu.memref_squeeze %dma_wait3A_186 : memref<1x128xi32, #tpu.memory_space<vmem>> -> memref<128xi32, #tpu.memory_space<vmem>>
    %dma_wait3A_188 = arith.constant 0 : i32
    %dma_wait3A_189 = arith.constant 0 : i32
    %dma_wait3A_190 = tpu.memref_slice %arg3[%dma_wait3A_188, %dma_wait3A_189] : memref<100000x128xf32, #tpu.memory_space<hbm>> -> memref<100000x128xf32, #tpu.memory_space<hbm>>
    tpu.wait_indirect_dma semaphore(%arg20 : memref<!tpu.dma_semaphore, #tpu.memory_space<semaphore_mem>>) src(%dma_wait3A_190 : memref<100000x128xf32, #tpu.memory_space<hbm>>) dst(%arg9 : memref<128x128xf32, #tpu.memory_space<vmem>>)
    %parallel_loop3A_191 = arith.constant 0 : i32
    %parallel_loop3A_192 = arith.constant 128 : i32
    %parallel_loop3A_193 = arith.constant 1 : i32
    scf.for %parallel_loop3A_240 = %parallel_loop3A_191 to %parallel_loop3A_192 step %parallel_loop3A_193  : i32 {
      %parallel_loop3A_241 = arith.constant 0 : i32
      %parallel_loop3A_242 = arith.addi %parallel_loop3A_241, %parallel_loop3A_240 : i32
      %parallel_loop3A_243 = arith.index_cast %parallel_loop3A_242 : i32 to index
      %parallel_loop3A_244 = arith.constant 0 : index
      %parallel_loop3A_245 = tpu.vector_load %arg7[%parallel_loop3A_243, %parallel_loop3A_244] {strides = array<i32>} : memref<256x128xf32, #tpu.memory_space<vmem>>, vector<1x16xf32>,
      %parallel_loop3A_246 = vector.shape_cast %parallel_loop3A_245 : vector<1x16xf32> to vector<16xf32>
      %parallel_loop3A_247 = arith.index_cast %parallel_loop3A_240 : i32 to index
      %parallel_loop3A_248 = arith.constant 0 : index
      %parallel_loop3A_249 = tpu.vector_load %arg9[%parallel_loop3A_247, %parallel_loop3A_248] {strides = array<i32>} : memref<128x128xf32, #tpu.memory_space<vmem>>, vector<1x16xf32>,
      %parallel_loop3A_250 = vector.shape_cast %parallel_loop3A_249 : vector<1x16xf32> to vector<16xf32>
      %parallel_loop3A_251 = vector.shape_cast %parallel_loop3A_246 : vector<16xf32> to vector<1x16xf32>
      tpu.vector_store %arg9[%parallel_loop3A_247, %parallel_loop3A_248], %parallel_loop3A_251 {add = true, strides = array<i32>} : memref<128x128xf32, #tpu.memory_space<vmem>>, vector<1x16xf32>,
      %parallel_loop3A_252 = arith.constant 0 : i32
      %parallel_loop3A_253 = arith.addi %parallel_loop3A_252, %parallel_loop3A_240 : i32
      %parallel_loop3A_254 = arith.index_cast %parallel_loop3A_253 : i32 to index
      %parallel_loop3A_255 = arith.constant 16 : index
      %parallel_loop3A_256 = tpu.vector_load %arg7[%parallel_loop3A_254, %parallel_loop3A_255] {strides = array<i32>} : memref<256x128xf32, #tpu.memory_space<vmem>>, vector<1x16xf32>,
      %parallel_loop3A_257 = vector.shape_cast %parallel_loop3A_256 : vector<1x16xf32> to vector<16xf32>
      %parallel_loop3A_258 = arith.index_cast %parallel_loop3A_240 : i32 to index
      %parallel_loop3A_259 = arith.constant 16 : index
      %parallel_loop3A_260 = tpu.vector_load %arg9[%parallel_loop3A_258, %parallel_loop3A_259] {strides = array<i32>} : memref<128x128xf32, #tpu.memory_space<vmem>>, vector<1x16xf32>,
      %parallel_loop3A_261 = vector.shape_cast %parallel_loop3A_260 : vector<1x16xf32> to vector<16xf32>
      %parallel_loop3A_262 = vector.shape_cast %parallel_loop3A_257 : vector<16xf32> to vector<1x16xf32>
      tpu.vector_store %arg9[%parallel_loop3A_258, %parallel_loop3A_259], %parallel_loop3A_262 {add = true, strides = array<i32>} : memref<128x128xf32, #tpu.memory_space<vmem>>, vector<1x16xf32>,
      %parallel_loop3A_263 = arith.constant 0 : i32
      %parallel_loop3A_264 = arith.addi %parallel_loop3A_263, %parallel_loop3A_240 : i32
      %parallel_loop3A_265 = arith.index_cast %parallel_loop3A_264 : i32 to index
      %parallel_loop3A_266 = arith.constant 32 : index
      %parallel_loop3A_267 = tpu.vector_load %arg7[%parallel_loop3A_265, %parallel_loop3A_266] {strides = array<i32>} : memref<256x128xf32, #tpu.memory_space<vmem>>, vector<1x16xf32>,
      %parallel_loop3A_268 = vector.shape_cast %parallel_loop3A_267 : vector<1x16xf32> to vector<16xf32>
      %parallel_loop3A_269 = arith.index_cast %parallel_loop3A_240 : i32 to index
      %parallel_loop3A_270 = arith.constant 32 : index
      %parallel_loop3A_271 = tpu.vector_load %arg9[%parallel_loop3A_269, %parallel_loop3A_270] {strides = array<i32>} : memref<128x128xf32, #tpu.memory_space<vmem>>, vector<1x16xf32>,
      %parallel_loop3A_272 = vector.shape_cast %parallel_loop3A_271 : vector<1x16xf32> to vector<16xf32>
      %parallel_loop3A_273 = vector.shape_cast %parallel_loop3A_268 : vector<16xf32> to vector<1x16xf32>
      tpu.vector_store %arg9[%parallel_loop3A_269, %parallel_loop3A_270], %parallel_loop3A_273 {add = true, strides = array<i32>} : memref<128x128xf32, #tpu.memory_space<vmem>>, vector<1x16xf32>,
      %parallel_loop3A_274 = arith.constant 0 : i32
      %parallel_loop3A_275 = arith.addi %parallel_loop3A_274, %parallel_loop3A_240 : i32
      %parallel_loop3A_276 = arith.index_cast %parallel_loop3A_275 : i32 to index
      %parallel_loop3A_277 = arith.constant 48 : index
      %parallel_loop3A_278 = tpu.vector_load %arg7[%parallel_loop3A_276, %parallel_loop3A_277] {strides = array<i32>} : memref<256x128xf32, #tpu.memory_space<vmem>>, vector<1x16xf32>,
      %parallel_loop3A_279 = vector.shape_cast %parallel_loop3A_278 : vector<1x16xf32> to vector<16xf32>
      %parallel_loop3A_280 = arith.index_cast %parallel_loop3A_240 : i32 to index
      %parallel_loop3A_281 = arith.constant 48 : index
      %parallel_loop3A_282 = tpu.vector_load %arg9[%parallel_loop3A_280, %parallel_loop3A_281] {strides = array<i32>} : memref<128x128xf32, #tpu.memory_space<vmem>>, vector<1x16xf32>,
      %parallel_loop3A_283 = vector.shape_cast %parallel_loop3A_282 : vector<1x16xf32> to vector<16xf32>
      %parallel_loop3A_284 = vector.shape_cast %parallel_loop3A_279 : vector<16xf32> to vector<1x16xf32>
      tpu.vector_store %arg9[%parallel_loop3A_280, %parallel_loop3A_281], %parallel_loop3A_284 {add = true, strides = array<i32>} : memref<128x128xf32, #tpu.memory_space<vmem>>, vector<1x16xf32>,
      %parallel_loop3A_285 = arith.constant 0 : i32
      %parallel_loop3A_286 = arith.addi %parallel_loop3A_285, %parallel_loop3A_240 : i32
      %parallel_loop3A_287 = arith.index_cast %parallel_loop3A_286 : i32 to index
      %parallel_loop3A_288 = arith.constant 64 : index
      %parallel_loop3A_289 = tpu.vector_load %arg7[%parallel_loop3A_287, %parallel_loop3A_288] {strides = array<i32>} : memref<256x128xf32, #tpu.memory_space<vmem>>, vector<1x16xf32>,
      %parallel_loop3A_290 = vector.shape_cast %parallel_loop3A_289 : vector<1x16xf32> to vector<16xf32>
      %parallel_loop3A_291 = arith.index_cast %parallel_loop3A_240 : i32 to index
      %parallel_loop3A_292 = arith.constant 64 : index
      %parallel_loop3A_293 = tpu.vector_load %arg9[%parallel_loop3A_291, %parallel_loop3A_292] {strides = array<i32>} : memref<128x128xf32, #tpu.memory_space<vmem>>, vector<1x16xf32>,
      %parallel_loop3A_294 = vector.shape_cast %parallel_loop3A_293 : vector<1x16xf32> to vector<16xf32>
      %parallel_loop3A_295 = vector.shape_cast %parallel_loop3A_290 : vector<16xf32> to vector<1x16xf32>
      tpu.vector_store %arg9[%parallel_loop3A_291, %parallel_loop3A_292], %parallel_loop3A_295 {add = true, strides = array<i32>} : memref<128x128xf32, #tpu.memory_space<vmem>>, vector<1x16xf32>,
      %parallel_loop3A_296 = arith.constant 0 : i32
      %parallel_loop3A_297 = arith.addi %parallel_loop3A_296, %parallel_loop3A_240 : i32
      %parallel_loop3A_298 = arith.index_cast %parallel_loop3A_297 : i32 to index
      %parallel_loop3A_299 = arith.constant 80 : index
      %parallel_loop3A_300 = tpu.vector_load %arg7[%parallel_loop3A_298, %parallel_loop3A_299] {strides = array<i32>} : memref<256x128xf32, #tpu.memory_space<vmem>>, vector<1x16xf32>,
      %parallel_loop3A_301 = vector.shape_cast %parallel_loop3A_300 : vector<1x16xf32> to vector<16xf32>
      %parallel_loop3A_302 = arith.index_cast %parallel_loop3A_240 : i32 to index
      %parallel_loop3A_303 = arith.constant 80 : index
      %parallel_loop3A_304 = tpu.vector_load %arg9[%parallel_loop3A_302, %parallel_loop3A_303] {strides = array<i32>} : memref<128x128xf32, #tpu.memory_space<vmem>>, vector<1x16xf32>,
      %parallel_loop3A_305 = vector.shape_cast %parallel_loop3A_304 : vector<1x16xf32> to vector<16xf32>
      %parallel_loop3A_306 = vector.shape_cast %parallel_loop3A_301 : vector<16xf32> to vector<1x16xf32>
      tpu.vector_store %arg9[%parallel_loop3A_302, %parallel_loop3A_303], %parallel_loop3A_306 {add = true, strides = array<i32>} : memref<128x128xf32, #tpu.memory_space<vmem>>, vector<1x16xf32>,
      %parallel_loop3A_307 = arith.constant 0 : i32
      %parallel_loop3A_308 = arith.addi %parallel_loop3A_307, %parallel_loop3A_240 : i32
      %parallel_loop3A_309 = arith.index_cast %parallel_loop3A_308 : i32 to index
      %parallel_loop3A_310 = arith.constant 96 : index
      %parallel_loop3A_311 = tpu.vector_load %arg7[%parallel_loop3A_309, %parallel_loop3A_310] {strides = array<i32>} : memref<256x128xf32, #tpu.memory_space<vmem>>, vector<1x16xf32>,
      %parallel_loop3A_312 = vector.shape_cast %parallel_loop3A_311 : vector<1x16xf32> to vector<16xf32>
      %parallel_loop3A_313 = arith.index_cast %parallel_loop3A_240 : i32 to index
      %parallel_loop3A_314 = arith.constant 96 : index
      %parallel_loop3A_315 = tpu.vector_load %arg9[%parallel_loop3A_313, %parallel_loop3A_314] {strides = array<i32>} : memref<128x128xf32, #tpu.memory_space<vmem>>, vector<1x16xf32>,
      %parallel_loop3A_316 = vector.shape_cast %parallel_loop3A_315 : vector<1x16xf32> to vector<16xf32>
      %parallel_loop3A_317 = vector.shape_cast %parallel_loop3A_312 : vector<16xf32> to vector<1x16xf32>
      tpu.vector_store %arg9[%parallel_loop3A_313, %parallel_loop3A_314], %parallel_loop3A_317 {add = true, strides = array<i32>} : memref<128x128xf32, #tpu.memory_space<vmem>>, vector<1x16xf32>,
      %parallel_loop3A_318 = arith.constant 0 : i32
      %parallel_loop3A_319 = arith.addi %parallel_loop3A_318, %parallel_loop3A_240 : i32
      %parallel_loop3A_320 = arith.index_cast %parallel_loop3A_319 : i32 to index
      %parallel_loop3A_321 = arith.constant 112 : index
      %parallel_loop3A_322 = tpu.vector_load %arg7[%parallel_loop3A_320, %parallel_loop3A_321] {strides = array<i32>} : memref<256x128xf32, #tpu.memory_space<vmem>>, vector<1x16xf32>,
      %parallel_loop3A_323 = vector.shape_cast %parallel_loop3A_322 : vector<1x16xf32> to vector<16xf32>
      %parallel_loop3A_324 = arith.index_cast %parallel_loop3A_240 : i32 to index
      %parallel_loop3A_325 = arith.constant 112 : index
      %parallel_loop3A_326 = tpu.vector_load %arg9[%parallel_loop3A_324, %parallel_loop3A_325] {strides = array<i32>} : memref<128x128xf32, #tpu.memory_space<vmem>>, vector<1x16xf32>,
      %parallel_loop3A_327 = vector.shape_cast %parallel_loop3A_326 : vector<1x16xf32> to vector<16xf32>
      %parallel_loop3A_328 = vector.shape_cast %parallel_loop3A_323 : vector<16xf32> to vector<1x16xf32>
      tpu.vector_store %arg9[%parallel_loop3A_324, %parallel_loop3A_325], %parallel_loop3A_328 {add = true, strides = array<i32>} : memref<128x128xf32, #tpu.memory_space<vmem>>, vector<1x16xf32>,
    } {sc.loop_unroll_factor = 4 : i64, sc.parallel_access}
    %add3A_194 = arith.constant 24576 : i32
    %add3A_195 = arith.addi %add3A_194, %mul3A_2 : i32
    %add3A_196 = arith.constant 0 : i32
    %add3A_197 = arith.addi %add3A_195, %add3A_196 : i32
    %dma_start3A_198 = arith.constant 0 : i32
    %dma_start3A_199 = tpu.memref_slice %arg5[%add3A_197, %dma_start3A_198] : memref<32768x128xf32, #tpu.memory_space<hbm>> -> memref<128x128xf32, #tpu.memory_space<hbm>>
    %dma_start3A_200 = arith.constant 0 : i32
    %dma_start3A_201 = tpu.memref_slice %arg5[%add3A_197, %dma_start3A_200] : memref<32768x128xf32, #tpu.memory_space<hbm>> -> memref<128x128xf32, #tpu.memory_space<hbm>>
    tpu.enqueue_dma source(%arg9 : memref<128x128xf32, #tpu.memory_space<vmem>>) target(%dma_start3A_201 : memref<128x128xf32, #tpu.memory_space<hbm>>) target_semaphore(%arg14 : memref<!tpu.dma_semaphore, #tpu.memory_space<semaphore_mem>>)
    %dma_wait3A_202 = arith.constant 7 : i32
    %dma_wait3A_203 = arith.constant 0 : i32
    %dma_wait3A_204 = tpu.memref_slice %arg6[%dma_wait3A_202, %dma_wait3A_203] : memref<8x128xi32, #tpu.memory_space<vmem>> -> memref<1x128xi32, #tpu.memory_space<vmem>>
    %dma_wait3A_205 = tpu.memref_squeeze %dma_wait3A_204 : memref<1x128xi32, #tpu.memory_space<vmem>> -> memref<128xi32, #tpu.memory_space<vmem>>
    %dma_wait3A_206 = arith.constant 0 : i32
    %dma_wait3A_207 = arith.constant 0 : i32
    %dma_wait3A_208 = tpu.memref_slice %arg3[%dma_wait3A_206, %dma_wait3A_207] : memref<100000x128xf32, #tpu.memory_space<hbm>> -> memref<100000x128xf32, #tpu.memory_space<hbm>>
    tpu.wait_indirect_dma semaphore(%arg21 : memref<!tpu.dma_semaphore, #tpu.memory_space<semaphore_mem>>) src(%dma_wait3A_208 : memref<100000x128xf32, #tpu.memory_space<hbm>>) dst(%arg10 : memref<128x128xf32, #tpu.memory_space<vmem>>)
    %parallel_loop3A_209 = arith.constant 0 : i32
    %parallel_loop3A_210 = arith.constant 128 : i32
    %parallel_loop3A_211 = arith.constant 1 : i32
    scf.for %parallel_loop3A_240 = %parallel_loop3A_209 to %parallel_loop3A_210 step %parallel_loop3A_211  : i32 {
      %parallel_loop3A_241 = arith.constant 128 : i32
      %parallel_loop3A_242 = arith.addi %parallel_loop3A_241, %parallel_loop3A_240 : i32
      %parallel_loop3A_243 = arith.index_cast %parallel_loop3A_242 : i32 to index
      %parallel_loop3A_244 = arith.constant 0 : index
      %parallel_loop3A_245 = tpu.vector_load %arg7[%parallel_loop3A_243, %parallel_loop3A_244] {strides = array<i32>} : memref<256x128xf32, #tpu.memory_space<vmem>>, vector<1x16xf32>,
      %parallel_loop3A_246 = vector.shape_cast %parallel_loop3A_245 : vector<1x16xf32> to vector<16xf32>
      %parallel_loop3A_247 = arith.index_cast %parallel_loop3A_240 : i32 to index
      %parallel_loop3A_248 = arith.constant 0 : index
      %parallel_loop3A_249 = tpu.vector_load %arg10[%parallel_loop3A_247, %parallel_loop3A_248] {strides = array<i32>} : memref<128x128xf32, #tpu.memory_space<vmem>>, vector<1x16xf32>,
      %parallel_loop3A_250 = vector.shape_cast %parallel_loop3A_249 : vector<1x16xf32> to vector<16xf32>
      %parallel_loop3A_251 = vector.shape_cast %parallel_loop3A_246 : vector<16xf32> to vector<1x16xf32>
      tpu.vector_store %arg10[%parallel_loop3A_247, %parallel_loop3A_248], %parallel_loop3A_251 {add = true, strides = array<i32>} : memref<128x128xf32, #tpu.memory_space<vmem>>, vector<1x16xf32>,
      %parallel_loop3A_252 = arith.constant 128 : i32
      %parallel_loop3A_253 = arith.addi %parallel_loop3A_252, %parallel_loop3A_240 : i32
      %parallel_loop3A_254 = arith.index_cast %parallel_loop3A_253 : i32 to index
      %parallel_loop3A_255 = arith.constant 16 : index
      %parallel_loop3A_256 = tpu.vector_load %arg7[%parallel_loop3A_254, %parallel_loop3A_255] {strides = array<i32>} : memref<256x128xf32, #tpu.memory_space<vmem>>, vector<1x16xf32>,
      %parallel_loop3A_257 = vector.shape_cast %parallel_loop3A_256 : vector<1x16xf32> to vector<16xf32>
      %parallel_loop3A_258 = arith.index_cast %parallel_loop3A_240 : i32 to index
      %parallel_loop3A_259 = arith.constant 16 : index
      %parallel_loop3A_260 = tpu.vector_load %arg10[%parallel_loop3A_258, %parallel_loop3A_259] {strides = array<i32>} : memref<128x128xf32, #tpu.memory_space<vmem>>, vector<1x16xf32>,
      %parallel_loop3A_261 = vector.shape_cast %parallel_loop3A_260 : vector<1x16xf32> to vector<16xf32>
      %parallel_loop3A_262 = vector.shape_cast %parallel_loop3A_257 : vector<16xf32> to vector<1x16xf32>
      tpu.vector_store %arg10[%parallel_loop3A_258, %parallel_loop3A_259], %parallel_loop3A_262 {add = true, strides = array<i32>} : memref<128x128xf32, #tpu.memory_space<vmem>>, vector<1x16xf32>,
      %parallel_loop3A_263 = arith.constant 128 : i32
      %parallel_loop3A_264 = arith.addi %parallel_loop3A_263, %parallel_loop3A_240 : i32
      %parallel_loop3A_265 = arith.index_cast %parallel_loop3A_264 : i32 to index
      %parallel_loop3A_266 = arith.constant 32 : index
      %parallel_loop3A_267 = tpu.vector_load %arg7[%parallel_loop3A_265, %parallel_loop3A_266] {strides = array<i32>} : memref<256x128xf32, #tpu.memory_space<vmem>>, vector<1x16xf32>,
      %parallel_loop3A_268 = vector.shape_cast %parallel_loop3A_267 : vector<1x16xf32> to vector<16xf32>
      %parallel_loop3A_269 = arith.index_cast %parallel_loop3A_240 : i32 to index
      %parallel_loop3A_270 = arith.constant 32 : index
      %parallel_loop3A_271 = tpu.vector_load %arg10[%parallel_loop3A_269, %parallel_loop3A_270] {strides = array<i32>} : memref<128x128xf32, #tpu.memory_space<vmem>>, vector<1x16xf32>,
      %parallel_loop3A_272 = vector.shape_cast %parallel_loop3A_271 : vector<1x16xf32> to vector<16xf32>
      %parallel_loop3A_273 = vector.shape_cast %parallel_loop3A_268 : vector<16xf32> to vector<1x16xf32>
      tpu.vector_store %arg10[%parallel_loop3A_269, %parallel_loop3A_270], %parallel_loop3A_273 {add = true, strides = array<i32>} : memref<128x128xf32, #tpu.memory_space<vmem>>, vector<1x16xf32>,
      %parallel_loop3A_274 = arith.constant 128 : i32
      %parallel_loop3A_275 = arith.addi %parallel_loop3A_274, %parallel_loop3A_240 : i32
      %parallel_loop3A_276 = arith.index_cast %parallel_loop3A_275 : i32 to index
      %parallel_loop3A_277 = arith.constant 48 : index
      %parallel_loop3A_278 = tpu.vector_load %arg7[%parallel_loop3A_276, %parallel_loop3A_277] {strides = array<i32>} : memref<256x128xf32, #tpu.memory_space<vmem>>, vector<1x16xf32>,
      %parallel_loop3A_279 = vector.shape_cast %parallel_loop3A_278 : vector<1x16xf32> to vector<16xf32>
      %parallel_loop3A_280 = arith.index_cast %parallel_loop3A_240 : i32 to index
      %parallel_loop3A_281 = arith.constant 48 : index
      %parallel_loop3A_282 = tpu.vector_load %arg10[%parallel_loop3A_280, %parallel_loop3A_281] {strides = array<i32>} : memref<128x128xf32, #tpu.memory_space<vmem>>, vector<1x16xf32>,
      %parallel_loop3A_283 = vector.shape_cast %parallel_loop3A_282 : vector<1x16xf32> to vector<16xf32>
      %parallel_loop3A_284 = vector.shape_cast %parallel_loop3A_279 : vector<16xf32> to vector<1x16xf32>
      tpu.vector_store %arg10[%parallel_loop3A_280, %parallel_loop3A_281], %parallel_loop3A_284 {add = true, strides = array<i32>} : memref<128x128xf32, #tpu.memory_space<vmem>>, vector<1x16xf32>,
      %parallel_loop3A_285 = arith.constant 128 : i32
      %parallel_loop3A_286 = arith.addi %parallel_loop3A_285, %parallel_loop3A_240 : i32
      %parallel_loop3A_287 = arith.index_cast %parallel_loop3A_286 : i32 to index
      %parallel_loop3A_288 = arith.constant 64 : index
      %parallel_loop3A_289 = tpu.vector_load %arg7[%parallel_loop3A_287, %parallel_loop3A_288] {strides = array<i32>} : memref<256x128xf32, #tpu.memory_space<vmem>>, vector<1x16xf32>,
      %parallel_loop3A_290 = vector.shape_cast %parallel_loop3A_289 : vector<1x16xf32> to vector<16xf32>
      %parallel_loop3A_291 = arith.index_cast %parallel_loop3A_240 : i32 to index
      %parallel_loop3A_292 = arith.constant 64 : index
      %parallel_loop3A_293 = tpu.vector_load %arg10[%parallel_loop3A_291, %parallel_loop3A_292] {strides = array<i32>} : memref<128x128xf32, #tpu.memory_space<vmem>>, vector<1x16xf32>,
      %parallel_loop3A_294 = vector.shape_cast %parallel_loop3A_293 : vector<1x16xf32> to vector<16xf32>
      %parallel_loop3A_295 = vector.shape_cast %parallel_loop3A_290 : vector<16xf32> to vector<1x16xf32>
      tpu.vector_store %arg10[%parallel_loop3A_291, %parallel_loop3A_292], %parallel_loop3A_295 {add = true, strides = array<i32>} : memref<128x128xf32, #tpu.memory_space<vmem>>, vector<1x16xf32>,
      %parallel_loop3A_296 = arith.constant 128 : i32
      %parallel_loop3A_297 = arith.addi %parallel_loop3A_296, %parallel_loop3A_240 : i32
      %parallel_loop3A_298 = arith.index_cast %parallel_loop3A_297 : i32 to index
      %parallel_loop3A_299 = arith.constant 80 : index
      %parallel_loop3A_300 = tpu.vector_load %arg7[%parallel_loop3A_298, %parallel_loop3A_299] {strides = array<i32>} : memref<256x128xf32, #tpu.memory_space<vmem>>, vector<1x16xf32>,
      %parallel_loop3A_301 = vector.shape_cast %parallel_loop3A_300 : vector<1x16xf32> to vector<16xf32>
      %parallel_loop3A_302 = arith.index_cast %parallel_loop3A_240 : i32 to index
      %parallel_loop3A_303 = arith.constant 80 : index
      %parallel_loop3A_304 = tpu.vector_load %arg10[%parallel_loop3A_302, %parallel_loop3A_303] {strides = array<i32>} : memref<128x128xf32, #tpu.memory_space<vmem>>, vector<1x16xf32>,
      %parallel_loop3A_305 = vector.shape_cast %parallel_loop3A_304 : vector<1x16xf32> to vector<16xf32>
      %parallel_loop3A_306 = vector.shape_cast %parallel_loop3A_301 : vector<16xf32> to vector<1x16xf32>
      tpu.vector_store %arg10[%parallel_loop3A_302, %parallel_loop3A_303], %parallel_loop3A_306 {add = true, strides = array<i32>} : memref<128x128xf32, #tpu.memory_space<vmem>>, vector<1x16xf32>,
      %parallel_loop3A_307 = arith.constant 128 : i32
      %parallel_loop3A_308 = arith.addi %parallel_loop3A_307, %parallel_loop3A_240 : i32
      %parallel_loop3A_309 = arith.index_cast %parallel_loop3A_308 : i32 to index
      %parallel_loop3A_310 = arith.constant 96 : index
      %parallel_loop3A_311 = tpu.vector_load %arg7[%parallel_loop3A_309, %parallel_loop3A_310] {strides = array<i32>} : memref<256x128xf32, #tpu.memory_space<vmem>>, vector<1x16xf32>,
      %parallel_loop3A_312 = vector.shape_cast %parallel_loop3A_311 : vector<1x16xf32> to vector<16xf32>
      %parallel_loop3A_313 = arith.index_cast %parallel_loop3A_240 : i32 to index
      %parallel_loop3A_314 = arith.constant 96 : index
      %parallel_loop3A_315 = tpu.vector_load %arg10[%parallel_loop3A_313, %parallel_loop3A_314] {strides = array<i32>} : memref<128x128xf32, #tpu.memory_space<vmem>>, vector<1x16xf32>,
      %parallel_loop3A_316 = vector.shape_cast %parallel_loop3A_315 : vector<1x16xf32> to vector<16xf32>
      %parallel_loop3A_317 = vector.shape_cast %parallel_loop3A_312 : vector<16xf32> to vector<1x16xf32>
      tpu.vector_store %arg10[%parallel_loop3A_313, %parallel_loop3A_314], %parallel_loop3A_317 {add = true, strides = array<i32>} : memref<128x128xf32, #tpu.memory_space<vmem>>, vector<1x16xf32>,
      %parallel_loop3A_318 = arith.constant 128 : i32
      %parallel_loop3A_319 = arith.addi %parallel_loop3A_318, %parallel_loop3A_240 : i32
      %parallel_loop3A_320 = arith.index_cast %parallel_loop3A_319 : i32 to index
      %parallel_loop3A_321 = arith.constant 112 : index
      %parallel_loop3A_322 = tpu.vector_load %arg7[%parallel_loop3A_320, %parallel_loop3A_321] {strides = array<i32>} : memref<256x128xf32, #tpu.memory_space<vmem>>, vector<1x16xf32>,
      %parallel_loop3A_323 = vector.shape_cast %parallel_loop3A_322 : vector<1x16xf32> to vector<16xf32>
      %parallel_loop3A_324 = arith.index_cast %parallel_loop3A_240 : i32 to index
      %parallel_loop3A_325 = arith.constant 112 : index
      %parallel_loop3A_326 = tpu.vector_load %arg10[%parallel_loop3A_324, %parallel_loop3A_325] {strides = array<i32>} : memref<128x128xf32, #tpu.memory_space<vmem>>, vector<1x16xf32>,
      %parallel_loop3A_327 = vector.shape_cast %parallel_loop3A_326 : vector<1x16xf32> to vector<16xf32>
      %parallel_loop3A_328 = vector.shape_cast %parallel_loop3A_323 : vector<16xf32> to vector<1x16xf32>
      tpu.vector_store %arg10[%parallel_loop3A_324, %parallel_loop3A_325], %parallel_loop3A_328 {add = true, strides = array<i32>} : memref<128x128xf32, #tpu.memory_space<vmem>>, vector<1x16xf32>,
    } {sc.loop_unroll_factor = 4 : i64, sc.parallel_access}
    %add3A_212 = arith.constant 24576 : i32
    %add3A_213 = arith.addi %add3A_212, %mul3A_2 : i32
    %add3A_214 = arith.constant 128 : i32
    %add3A_215 = arith.addi %add3A_213, %add3A_214 : i32
    %dma_start3A_216 = arith.constant 0 : i32
    %dma_start3A_217 = tpu.memref_slice %arg5[%add3A_215, %dma_start3A_216] : memref<32768x128xf32, #tpu.memory_space<hbm>> -> memref<128x128xf32, #tpu.memory_space<hbm>>
    %dma_start3A_218 = arith.constant 0 : i32
    %dma_start3A_219 = tpu.memref_slice %arg5[%add3A_215, %dma_start3A_218] : memref<32768x128xf32, #tpu.memory_space<hbm>> -> memref<128x128xf32, #tpu.memory_space<hbm>>
    tpu.enqueue_dma source(%arg10 : memref<128x128xf32, #tpu.memory_space<vmem>>) target(%dma_start3A_219 : memref<128x128xf32, #tpu.memory_space<hbm>>) target_semaphore(%arg15 : memref<!tpu.dma_semaphore, #tpu.memory_space<semaphore_mem>>)
    %dma_wait3A_220 = arith.constant 0 : i32
    %dma_wait3A_221 = tpu.memref_slice %arg5[%add3A_132, %dma_wait3A_220] : memref<32768x128xf32, #tpu.memory_space<hbm>> -> memref<128x128xf32, #tpu.memory_space<hbm>>
    %dma_wait3A_222 = arith.constant 0 : i32
    %dma_wait3A_223 = tpu.memref_slice %arg5[%add3A_132, %dma_wait3A_222] : memref<32768x128xf32, #tpu.memory_space<hbm>> -> memref<128x128xf32, #tpu.memory_space<hbm>>
    tpu.wait_dma2 semaphore(%arg16 : memref<!tpu.dma_semaphore, #tpu.memory_space<semaphore_mem>>) src(%arg11 : memref<128x128xf32, #tpu.memory_space<vmem>>) dst(%dma_wait3A_223 : memref<128x128xf32, #tpu.memory_space<hbm>>)
    %dma_wait3A_224 = arith.constant 0 : i32
    %dma_wait3A_225 = tpu.memref_slice %arg5[%add3A_161, %dma_wait3A_224] : memref<32768x128xf32, #tpu.memory_space<hbm>> -> memref<128x128xf32, #tpu.memory_space<hbm>>
    %dma_wait3A_226 = arith.constant 0 : i32
    %dma_wait3A_227 = tpu.memref_slice %arg5[%add3A_161, %dma_wait3A_226] : memref<32768x128xf32, #tpu.memory_space<hbm>> -> memref<128x128xf32, #tpu.memory_space<hbm>>
    tpu.wait_dma2 semaphore(%arg17 : memref<!tpu.dma_semaphore, #tpu.memory_space<semaphore_mem>>) src(%arg12 : memref<128x128xf32, #tpu.memory_space<vmem>>) dst(%dma_wait3A_227 : memref<128x128xf32, #tpu.memory_space<hbm>>)
    %dma_wait3A_228 = arith.constant 0 : i32
    %dma_wait3A_229 = tpu.memref_slice %arg5[%add3A_179, %dma_wait3A_228] : memref<32768x128xf32, #tpu.memory_space<hbm>> -> memref<128x128xf32, #tpu.memory_space<hbm>>
    %dma_wait3A_230 = arith.constant 0 : i32
    %dma_wait3A_231 = tpu.memref_slice %arg5[%add3A_179, %dma_wait3A_230] : memref<32768x128xf32, #tpu.memory_space<hbm>> -> memref<128x128xf32, #tpu.memory_space<hbm>>
    tpu.wait_dma2 semaphore(%arg13 : memref<!tpu.dma_semaphore, #tpu.memory_space<semaphore_mem>>) src(%arg8 : memref<128x128xf32, #tpu.memory_space<vmem>>) dst(%dma_wait3A_231 : memref<128x128xf32, #tpu.memory_space<hbm>>)
    %dma_wait3A_232 = arith.constant 0 : i32
    %dma_wait3A_233 = tpu.memref_slice %arg5[%add3A_197, %dma_wait3A_232] : memref<32768x128xf32, #tpu.memory_space<hbm>> -> memref<128x128xf32, #tpu.memory_space<hbm>>
    %dma_wait3A_234 = arith.constant 0 : i32
    %dma_wait3A_235 = tpu.memref_slice %arg5[%add3A_197, %dma_wait3A_234] : memref<32768x128xf32, #tpu.memory_space<hbm>> -> memref<128x128xf32, #tpu.memory_space<hbm>>
    tpu.wait_dma2 semaphore(%arg14 : memref<!tpu.dma_semaphore, #tpu.memory_space<semaphore_mem>>) src(%arg9 : memref<128x128xf32, #tpu.memory_space<vmem>>) dst(%dma_wait3A_235 : memref<128x128xf32, #tpu.memory_space<hbm>>)
    %dma_wait3A_236 = arith.constant 0 : i32
    %dma_wait3A_237 = tpu.memref_slice %arg5[%add3A_215, %dma_wait3A_236] : memref<32768x128xf32, #tpu.memory_space<hbm>> -> memref<128x128xf32, #tpu.memory_space<hbm>>
    %dma_wait3A_238 = arith.constant 0 : i32
    %dma_wait3A_239 = tpu.memref_slice %arg5[%add3A_215, %dma_wait3A_238] : memref<32768x128xf32, #tpu.memory_space<hbm>> -> memref<128x128xf32, #tpu.memory_space<hbm>>
    tpu.wait_dma2 semaphore(%arg15 : memref<!tpu.dma_semaphore, #tpu.memory_space<semaphore_mem>>) src(%arg10 : memref<128x128xf32, #tpu.memory_space<vmem>>) dst(%dma_wait3A_239 : memref<128x128xf32, #tpu.memory_space<hbm>>)
    return
  }
}

</mosaic_0001>

<sc_bundles>
// kernel: kernel.3.cloned.1.call-start
scs
__scs_entry_jumppad:
0x0: {  	(pc) =	sbr.rel $0x88, $3  }
0x1: {  	(tag) =	ssettag $0x0;
	lr =	simm.s32 $0x1  }
0x2: {  	[smem:$0x3F9E] =	sst lr;
	_ =	strace $0xD0000000  }
0x3: {  	_ = 	snop  }
0x4: {  	_ = 	snop  }
0x5: {  	_ = 	snop  }
0x6: {  	_ = 	snop  }
0x7: {  	_ = 	snop  }
__scs_overlays_trampoline_lowered:
0x8: {  	[smem:$0x3FAD] =	sst s0  }
0x9: {  	[smem:$0x3FAE] =	sst s1  }
0xa: {  	[smem:$0x3FAF] =	sst s2  }
0xb: {  	[smem:$0x3FB0] =	sst s3  }
0xc: {  	[smem:$0x3FB1] =	sst s4  }
0xd: {  	[smem:$0x3FB2] =	sst s5  }
0xe: {  	[smem:$0x3FB3] =	sst s6  }
0xf: {  	[smem:$0x3FB4] =	sst s7  }
0x10: {  	[smem:$0x3FB5] =	sst s8  }
0x11: {  	[smem:$0x3FB6] =	sst s9;
	s0 =	simm.s32 @!p0 $0x0  }
0x12: {  	s1 =	sld [smem:$0x3F9C];
	s0 =	simm.s32 @p0 $0x1  }
0x13: {  	[smem:$0x3FB7] =	sst s0;
	s0 =	simm.s32 @!p1 $0x0  }
0x14: {  	s2 =	sld [smem:$0x3F9B];
	s0 =	simm.s32 @p1 $0x1  }
0x15: {  	[smem:$0x3FB8] =	sst s0;
	s0 =	simm.s32 @!p2 $0x0  }
0x16: {  	s3 =	sld [smem:$0x3FDB];
	s0 =	simm.s32 @p2 $0x1  }
0x17: {  	s4 =	simm.s32 $0x1BF5;
	[smem:$0x3FBA] =	sst s0  }
0x18: {  	s0 =	sld [smem:$0x3F9D];
	_ =	swait.ge [sflag:s4], $0x0  }
0x19: {  	s7 =	sld [smem:$0x3F9E]  }
0x1a: {  	s8 =	sadd.s32 $0xFFFFE003, lr  }
0x1b: {  	s9 =	sadd.s32 $0xFFFFFEF7, lr;
	s5 =	simm.s32 $0xFFFFFFFF;
	p2 =	slt.u32 s8, $0xFFFFF086  }
0x1c: {  	p1 =	slt.u32 s9, $0xF7A;
	s5 =	simm.s32 @!p2 $0x0  }
0x1d: {  	s5 =	simm.s32 @p1 $0x1;
	p0 =	seq.s32 s7, s2  }
0x1e: {  	s7 =	smul.u32 @!p0 $0xF7A, s2;
	p2 =	seq.s32 @!p0 s5, $0x0  }
0x1f: {  	s9 =	smul.u32 $0xF7A, s1;
	s8 =	simm.s32 @!p0 $0x1BF5;
	p2 =	por !p2, p0  }
0x20: {  	[sflag:s8] =	ssyncset.s32 @!p0 $0xFFFFF086;
	s6 =	sadd.s32 @!p0 s3, s7;
	s7 =	simm.s32 @!p0 $0x108  }
0x21: {  	s3 =	sadd.s32 s3, s9;
	s6 =	sadd.s32 @!p0 $0x88, s6;
	s7 =	simm.s32 @p2 $0x1082  }
0x22: {  	[simem:s7], [sflag:s8] =	dma.local @!p0 [hbm:s6], $0xF7A  }
0x23: {  	s9 =	sor.u32 $0xD0000000, s2;
	s6 =	simm.s32 $0x108;
	_ =	swait.ge @!p0 [sflag:s8], $0x0  }
0x24: {  	s3 =	sadd.s32 $0x88, s3;
	s6 =	simm.s32 @!p1 $0x1082;
	[sflag:s4] =	ssyncset.s32 $0xFFFFF086  }
0x25: {  	[simem:s6], [sflag:s4] =	dma.local [hbm:s3], $0xF7A  }
0x26: {  	[smem:$0x3F9E] =	sst s1;
	(tag) =	ssettag s2;
	_ =	strace s9  }
0x27: {  	s1 =	sld [smem:$0x3FAE]  }
0x28: {  	s2 =	sld [smem:$0x3FAF]  }
0x29: {  	s4 =	sld [smem:$0x3FB1]  }
0x2a: {  	p0 =	seq.s32 s5, $0x0;
	s5 =	sld [smem:$0x3FB2]  }
0x2b: {  	s6 =	sld [smem:$0x3FB3]  }
0x2c: {  	s7 =	sld [smem:$0x3FB4]  }
0x2d: {  	s3 =	simm.s32 $0x108;
	s8 =	sld [smem:$0x3FB5]  }
0x2e: {  	s3 =	simm.s32 @!p0 $0x1082;
	s9 =	sld [smem:$0x3FB6]  }
0x2f: {  	lr =	sadd.s32 s0, s3;
	s0 =	sld [smem:$0x3FAD]  }
0x30: {  	s3 =	sld [smem:$0x3FB0]  }
0x31: {  	[smem:$0x3FB9] =	sst s10  }
0x32: {  	s10 =	sld [smem:$0x3FB7];
	_ =	sdelay $0x3  }
0x33: {  	p0 =	seq.s32 s10, $0x1;
	s10 =	sld [smem:$0x3FB9];
	_ =	sdelay $0x3  }
0x34: {  	[smem:$0x3FB9] =	sst s10  }
0x35: {  	s10 =	sld [smem:$0x3FB8];
	_ =	sdelay $0x3  }
0x36: {  	p1 =	seq.s32 s10, $0x1;
	s10 =	sld [smem:$0x3FB9];
	_ =	sdelay $0x3  }
0x37: {  	[smem:$0x3FB9] =	sst s10  }
0x38: {  	s10 =	sld [smem:$0x3FBA]  }
0x39: {  	_ = 	snop;
	(pc) =	sbr.ind lr, $3  }
0x3a: {  	_ = 	snop  }
0x3b: {  	_ = 	snop  }
0x3c: {  	p2 =	seq.s32 s10, $0x1;
	s10 =	sld [smem:$0x3FB9]  }
0x3d: {  	_ =	shalt  }
0x3e: {  	_ =	shalt  }
0x3f: {  	_ =	shalt  }
0x40: {  	_ =	shalt  }
0x41: {  	_ =	shalt  }
0x42: {  	_ =	shalt  }
0x43: {  	_ =	shalt  }
0x44: {  	_ =	shalt  }
0x45: {  	_ =	shalt  }
0x46: {  	_ =	shalt  }
0x47: {  	_ =	shalt  }
0x48: {  	_ =	shalt  }
0x49: {  	_ =	shalt  }
0x4a: {  	_ =	shalt  }
0x4b: {  	_ =	shalt  }
0x4c: {  	_ =	shalt  }
0x4d: {  	_ =	shalt  }
0x4e: {  	_ =	shalt  }
0x4f: {  	_ =	shalt  }
0x50: {  	_ =	shalt  }
0x51: {  	_ =	shalt  }
0x52: {  	_ =	shalt  }
0x53: {  	_ =	shalt  }
0x54: {  	_ =	shalt  }
0x55: {  	_ =	shalt  }
0x56: {  	_ =	shalt  }
0x57: {  	_ =	shalt  }
0x58: {  	_ =	shalt  }
0x59: {  	_ =	shalt  }
0x5a: {  	_ =	shalt  }
0x5b: {  	_ =	shalt  }
0x5c: {  	_ =	shalt  }
0x5d: {  	_ =	shalt  }
0x5e: {  	_ =	shalt  }
0x5f: {  	_ =	shalt  }
0x60: {  	_ =	shalt  }
0x61: {  	_ =	shalt  }
0x62: {  	_ =	shalt  }
0x63: {  	_ =	shalt  }
0x64: {  	_ =	shalt  }
0x65: {  	_ =	shalt  }
0x66: {  	_ =	shalt  }
0x67: {  	_ =	shalt  }
0x68: {  	_ =	shalt  }
0x69: {  	_ =	shalt  }
0x6a: {  	_ =	shalt  }
0x6b: {  	_ =	shalt  }
0x6c: {  	_ =	shalt  }
0x6d: {  	_ =	shalt  }
0x6e: {  	_ =	shalt  }
0x6f: {  	_ =	shalt  }
0x70: {  	_ =	shalt  }
0x71: {  	_ =	shalt  }
0x72: {  	_ =	shalt  }
0x73: {  	_ =	shalt  }
0x74: {  	_ =	shalt  }
0x75: {  	_ =	shalt  }
0x76: {  	_ =	shalt  }
0x77: {  	_ =	shalt  }
0x78: {  	_ =	shalt  }
0x79: {  	_ =	shalt  }
0x7a: {  	_ =	shalt  }
0x7b: {  	_ =	shalt  }
0x7c: {  	_ =	shalt  }
0x7d: {  	_ =	shalt  }
0x7e: {  	_ =	shalt  }
0x7f: {  	_ =	shalt  }
0x80: {  	_ =	shalt  }
0x81: {  	_ =	shalt  }
0x82: {  	_ =	shalt  }
0x83: {  	_ =	shalt  }
0x84: {  	_ =	shalt  }
0x85: {  	_ =	shalt  }
0x86: {  	_ =	shalt  }
0x87: {  	_ =	shalt  }
.Lfunc_end0:
.L_simem_size_0:
called_computation_lowered:
.L_overlay_start_0:
0x88: {  	s2 =	sld [smem:$0x3FD9]  }
0x89: {  	s3 =	sld [smem:$0x3FFE];
	_ =	sdelay $0x1  }
0x8a: {  	s1 =	srdreg.scid  }
0x8b: {  	s0 =	sand.u32 $0x1, s1  }
0x8c: {  	s17 =	sshll.u32 s0, $0xA;
	s2 =	sadd.s32 s3, s2  }
0x8d: {  	s2 =	sadd.s32 s2, s17  }
0x8e: {  	[smem:$0x3FC5] =	sst s2  }
0x8f: {  	_ = 	snop  }
0x90: {  	s2 =	sld [smem:$0x3FC8]  }
0x91: {  	s18 =	sld [smem:$0x3FC7]  }
0x92: {  	s4 =	sld [smem:$0x3FD0];
	(tm) =	ssettm $0x1  }
0x93: {  	s5 =	sld [smem:$0x3FFB];
	_ =	sdelay $0x3  }
0x94: {  	_ =	strace s5  }
0x95: {  	s5 =	sld [smem:$0x3FFC];
	_ =	sdelay $0x3  }
0x96: {  	_ =	strace s5  }
0x97: {  	s5 =	sld [smem:$0x3FFD];
	_ =	sdelay $0x3  }
0x98: {  	_ =	strace s5  }
0x99: {  	_ =	strace $0x8FFFFFFF  }
0x9a: {  	s19 =	sld [smem:$0x3FDB];
	_ =	sdelay $0x1  }
0x9b: {  	s6 =	simm.s32 $_scs_section_size  }
0x9c: {  	s7 =	simm.s32 $_size__tile_overlayer_lowered;
	s8 =	simm.s32 $_tile_overlayer_lowered  }
0x9d: {  	s22 =	simm.s32 $0x1BFF;
	s21 =	sshll.u32 s8, $0x1;
	s5 =	sadd.s32 s6, s19  }
0x9e: {  	s9 =	simm.s32 $0x0;
	s20 =	sshll.u32 s7, $0x1;
	s7 =	sadd.s32 s21, s5  }
0x9f: {  	[timem:s9], [sflag:s22] =	dma.local [hbm:s7], s20  }
0xa0: {  	_ =	swait.ge [sflag:s22], s20  }
0xa1: {  	s6 =	ssub.s32 $0x0, s20;
	[sflag:s22] =	ssyncset.done $0x0  }
0xa2: {  	[sflag:s22] =	ssyncadd.s32 s6;
	_ =	sdelay $0x1  }
0xa3: {  	s23 =	simm.s32 $0x1B8B  }
0xa4: {  	_ =	swait.ge [sflag:s23], $0x1  }
0xa5: {  	[sflag:s23] =	ssyncset.done $0x0  }
0xa6: {  	s25 =	simm.s32 $0x1B8E;
	s24 =	sld [smem:$0x3FFE];
	[sflag:s23] =	ssyncadd.s32 $0xFFFFFFFF  }
0xa7: {  	s26 =	simm.s32 $execute0_lowered;
	[smem:$0x3FD2] =	sst s25  }
0xa8: {  	s7 =	sshll.u32 s26, $0x1;
	_ =	strace $0x80000046;
	[dreg:$0x1] =	wrdreg $0xFFFFFFFF  }
0xa9: {  	s28 =	simm.s32 $_size_execute0_lowered;
	s5 =	sadd.s32 s5, s7;
	[dreg:$0x0] =	wrdreg $0x0  }
0xaa: {  	s7 =	sshll.u32 s28, $0x1;
	[dreg:$0x2] =	wrdreg s5  }
0xab: {  	[dreg:$0x3] =	wrdreg s7  }
0xac: {  	[dreg:$0x4] =	wrdreg $0xC0  }
0xad: {  	_ =	task [dreg:s9], $0x5FFFF  }
0xae: {  	[dreg:$0x1] =	wrdreg $0xFFFFFFFF  }
0xaf: {  	[dreg:$0x0] =	wrdreg $0x60  }
0xb0: {  	[dreg:$0x2] =	wrdreg s24  }
0xb1: {  	[dreg:$0x3] =	wrdreg s2  }
0xb2: {  	[dreg:$0x4] =	wrdreg s18  }
0xb3: {  	[dreg:$0x5] =	wrdreg s4  }
0xb4: {  	[dreg:$0x6] =	wrdreg $0x9  }
0xb5: {  	_ =	task.clear_ibuf [dreg:s9], $0x7FFFF;
	_ =	strace $0x90000046  }
0xb6: {  	s29 =	simm.s32 $0x9;
	_ =	strace $0x80000048  }
0xb7: {  	_ =	swait.ge [sflag:s29], $0x1  }
0xb8: {  	[sflag:s29] =	ssyncadd.s32 $0xFFFFFFFF  }
0xb9: {  	_ =	strace $0x90000048  }
0xba: {  	_ =	sfence  }
0xbb: {  	s30 =	sld [smem:$0x0];
	_ =	sdelay $0x2  }
0xbc: {  	s31 =	sshll.u32 s1, $0xD;
	s1 =	sshrl.u32 s1, $0x2  }
0xbd: {  	s3 =	sand.u32 $0x4000, s31;
	s1 =	sadd.s32 s1, s30  }
0xbe: {  	s0 =	sor.u32 s3, s0;
	s1 =	sshll.u32 s1, $0x11  }
0xbf: {  	s0 =	sor.u32 s1, s0  }
0xc0: {  	s0 =	sadd.s32 $0x8F2B, s0  }
0xc1: {  	[sflag:s0] =	ssyncadd.remote.s32 $0x1  }
0xc2: {  	_ =	sfence.sel $0xFFFF  }
0xc3: {  	[dreg:$0x0] =	wrdreg $0xFFFFFFFF;
	(pc) =	sbr.abs _section_cstart, $3  }
0xc4: {  	[dreg:$0x1] =	wrdreg $0xFFFFFFFF  }
0xc5: {  	_ =	task.clear_ibuf [dreg:s9], $0x2FFFF;
	_ =	strace $0x9FFFFFFF  }
0xc6: {  	(tm) =	ssettm $0x7FFFFFFF  }
0xc7: {  	_ =	shalt  }
tec
execute0_lowered:
.L_overlay_start_1:
0x0: {  	(tag) =	ssettag $0x1  }
0x1: {  	s0 =	rddreg [dreg:$0x0]  }
0x2: {  	s1 =	rddreg [dreg:$0x1]  }
0x3: {  	s2 =	rddreg [dreg:$0x2]  }
0x4: {  	s4 =	rddreg [dreg:$0x3]  }
0x5: {  	s5 =	srdreg.scid;
	s6 =	stileid.u32;
	s3 =	simm.s32 $0x0  }
0x6: {  	s15 =	simm.s32 $0xB;
	s17 =	simm.s32 $0x80;
	s18 =	simm.s32 $0x8400  }
0x7: {  	s19 =	simm.s32 $0xC400;
	s21 =	simm.s32 $0x10400;
	s22 =	simm.s32 $0xA  }
0x8: {  	s25 =	simm.s32 $0x6;
	s29 =	simm.s32 $0x7;
	s30 =	simm.s32 $0x1  }
0x9: {  	s20 =	simm.s32 $0x9;
	s23 =	simm.s32 $0x3;
	s31 =	simm.s32 $0x4  }
0xa: {  	s16 =	simm.s32 $0x5;
	s5 =	sand.u32 $0x1, s5;
	s6 =	sshll.u32 s6, $0x1  }
0xb: {  	s26 =	simm.s32 $0x0;
	[smem:$0x7FF] =	sst s3;
	s6 =	sor.u32 s5, s6  }
0xc: {  	s5 =	ssub.s32 $0x2, s5;
	_ =	strace $0x80000047;
	s7 =	sshll.u32 s6, $0x7  }
0xd: {  	s8 =	sshrl.u32 s5, $0x1;
	s6 =	sshll.u32 s6, $0xC;
	s0 =	sadd.s32 s7, s0  }
0xe: {  	s14 =	ssub.s32 s5, s8;
	s5 =	sadd.s32 s2, s6;
	s6 =	sadd.s32 s4, s6  }
0xf: {  	s2 =	simm.s32 $0x2;
	s0 =	sadd.s32 $0x400, s0;
	s7 =	sadd.s32 $0x800, s6  }
0x10: {  	s8 =	sadd.s32 $0x20000, s6;
	s9 =	sadd.s32 $0x20800, s6;
	s10 =	sadd.s32 $0x40000, s6  }
0x11: {  	s11 =	sadd.s32 $0x40800, s6;
	s12 =	sadd.s32 $0x60000, s6;
	s13 =	sadd.s32 $0x60800, s6  }
0x12: {  	s14 =	smax.u32 s14, $0x1;
	[dreg:$0x5] =	wrdreg s0;
	s0 =	simm.s32 $0x8  }
.LBB2_1:
0x13: {  	s4 =	rddreg [dreg:$0x5]  }
0x14: {  	[tilespmem:s3], [sflag:$0xB] =	stream.linear.gather [hbm4b:s4+s3], $0x400, $0x38;
	[tilespmem:$0x1C400] =	vst v63  }
0x15: {  	_ =	swait.ge [sflag:s15], $0x400  }
0x16: {  	[sflag:s15] =	ssyncset.done $0x0  }
0x17: {  	s24 =	simm.s32 $0x400;
	[sflag:s15] =	ssyncadd.s32 $0xFFFFFC00  }
0x18: {  	[tilespmem:s24], [sflag:$0xA] =	stream.linear.gather [hbm4b:s5+s3], $0x8000, $0x38;
	[tilespmem:$0x1C400] =	vst v63  }
0x19: {  	_ = 	snop  }
0x1a: {  	[tilespmem:s18], [sflag:$0x6] =	stream.indirect.gather [hbm4b:s1+s17], $0x80, s3, s17, $0xb8;
	[tilespmem:$0x1C400] =	vst v63  }
0x1b: {  	_ = 	snop  }
0x1c: {  	[tilespmem:s19], [sflag:$0x7] =	stream.indirect.gather [hbm4b:s1+s17], $0x80, s17, s17, $0xb8;
	[tilespmem:$0x1C400] =	vst v63  }
0x1d: {  	s24 =	simm.s32 $0x100  }
0x1e: {  	[tilespmem:s21], [sflag:$0x8] =	stream.indirect.gather [hbm4b:s1+s17], $0x80, s24, s17, $0xb8;
	[tilespmem:$0x1C400] =	vst v63  }
0x1f: {  	_ =	swait.ge [sflag:s22], $0x8000  }
0x20: {  	[sflag:s22] =	ssyncset.done $0x0  }
0x21: {  	s4 =	simm.s32 $0x180;
	s24 =	simm.s32 $0x14400;
	[sflag:s22] =	ssyncadd.s32 $0xFFFF8000  }
0x22: {  	[tilespmem:s24], [sflag:$0x9] =	stream.indirect.gather [hbm4b:s1+s17], $0x80, s4, s17, $0xb8;
	[tilespmem:$0x1C400] =	vst v63  }
0x23: {  	_ =	swait.ge [sflag:s25], $0x4000  }
0x24: {  	[sflag:s25] =	ssyncset.done $0x0  }
0x25: {  	s24 =	simm.s32 $0x0;
	[sflag:s25] =	ssyncadd.s32 $0xFFFFC000  }
0x26: {  	v0 =	vld [tilespmem:s24+$0x5F0]  }
0x27: {  	v1 =	vld [tilespmem:s24+$0x400]  }
0x28: {  	v2 =	vld [tilespmem:s24+$0x410]  }
0x29: {  	v3 =	vld [tilespmem:s24+$0x420]  }
0x2a: {  	v4 =	vld [tilespmem:s24+$0x430]  }
0x2b: {  	v5 =	vld [tilespmem:s24+$0x440]  }
0x2c: {  	v6 =	vld [tilespmem:s24+$0x450]  }
0x2d: {  	v7 =	vld [tilespmem:s24+$0x460]  }
0x2e: {  	v8 =	vld [tilespmem:s24+$0x470]  }
0x2f: {  	v9 =	vld [tilespmem:s24+$0x480]  }
0x30: {  	v10 =	vld [tilespmem:s24+$0x490]  }
0x31: {  	v11 =	vld [tilespmem:s24+$0x4A0]  }
0x32: {  	v12 =	vld [tilespmem:s24+$0x4B0]  }
0x33: {  	v13 =	vld [tilespmem:s24+$0x4C0]  }
0x34: {  	v14 =	vld [tilespmem:s24+$0x4D0]  }
0x35: {  	v15 =	vld [tilespmem:s24+$0x4E0]  }
0x36: {  	v16 =	vld [tilespmem:s24+$0x4F0]  }
0x37: {  	v17 =	vld [tilespmem:s24+$0x500]  }
0x38: {  	v18 =	vld [tilespmem:s24+$0x510]  }
0x39: {  	v19 =	vld [tilespmem:s24+$0x520]  }
0x3a: {  	v20 =	vld [tilespmem:s24+$0x530]  }
0x3b: {  	v21 =	vld [tilespmem:s24+$0x540]  }
0x3c: {  	v22 =	vld [tilespmem:s24+$0x550]  }
0x3d: {  	v23 =	vld [tilespmem:s24+$0x560]  }
0x3e: {  	v24 =	vld [tilespmem:s24+$0x570]  }
0x3f: {  	v25 =	vld [tilespmem:s24+$0x580]  }
0x40: {  	v26 =	vld [tilespmem:s24+$0x590]  }
0x41: {  	v27 =	vld [tilespmem:s24+$0x5A0]  }
0x42: {  	v28 =	vld [tilespmem:s24+$0x5B0]  }
0x43: {  	v29 =	vld [tilespmem:s24+$0x5C0]  }
0x44: {  	v30 =	vld [tilespmem:s24+$0x5D0]  }
0x45: {  	[tilespmem:s24+$0x85F0] =	vst.add.f32.msk $0xffff, v0  }
0x46: {  	v0 =	vld [tilespmem:s24+$0x5E0]  }
0x47: {  	[tilespmem:s24+$0x8400] =	vst.add.f32.msk $0xffff, v1  }
0x48: {  	[tilespmem:s24+$0x8410] =	vst.add.f32.msk $0xffff, v2  }
0x49: {  	[tilespmem:s24+$0x8420] =	vst.add.f32.msk $0xffff, v3  }
0x4a: {  	[tilespmem:s24+$0x8430] =	vst.add.f32.msk $0xffff, v4  }
0x4b: {  	[tilespmem:s24+$0x8440] =	vst.add.f32.msk $0xffff, v5  }
0x4c: {  	[tilespmem:s24+$0x8450] =	vst.add.f32.msk $0xffff, v6  }
0x4d: {  	[tilespmem:s24+$0x8460] =	vst.add.f32.msk $0xffff, v7  }
0x4e: {  	[tilespmem:s24+$0x8470] =	vst.add.f32.msk $0xffff, v8  }
0x4f: {  	[tilespmem:s24+$0x8480] =	vst.add.f32.msk $0xffff, v9  }
0x50: {  	[tilespmem:s24+$0x8490] =	vst.add.f32.msk $0xffff, v10  }
0x51: {  	[tilespmem:s24+$0x84A0] =	vst.add.f32.msk $0xffff, v11  }
0x52: {  	[tilespmem:s24+$0x84B0] =	vst.add.f32.msk $0xffff, v12  }
0x53: {  	[tilespmem:s24+$0x84C0] =	vst.add.f32.msk $0xffff, v13  }
0x54: {  	[tilespmem:s24+$0x84D0] =	vst.add.f32.msk $0xffff, v14  }
0x55: {  	[tilespmem:s24+$0x84E0] =	vst.add.f32.msk $0xffff, v15  }
0x56: {  	[tilespmem:s24+$0x84F0] =	vst.add.f32.msk $0xffff, v16  }
0x57: {  	[tilespmem:s24+$0x8500] =	vst.add.f32.msk $0xffff, v17  }
0x58: {  	[tilespmem:s24+$0x8510] =	vst.add.f32.msk $0xffff, v18  }
0x59: {  	[tilespmem:s24+$0x8520] =	vst.add.f32.msk $0xffff, v19  }
0x5a: {  	[tilespmem:s24+$0x8530] =	vst.add.f32.msk $0xffff, v20  }
0x5b: {  	[tilespmem:s24+$0x8540] =	vst.add.f32.msk $0xffff, v21  }
0x5c: {  	[tilespmem:s24+$0x8550] =	vst.add.f32.msk $0xffff, v22  }
0x5d: {  	[tilespmem:s24+$0x8560] =	vst.add.f32.msk $0xffff, v23  }
0x5e: {  	[tilespmem:s24+$0x8570] =	vst.add.f32.msk $0xffff, v24  }
0x5f: {  	[tilespmem:s24+$0x8580] =	vst.add.f32.msk $0xffff, v25  }
0x60: {  	[tilespmem:s24+$0x8590] =	vst.add.f32.msk $0xffff, v26  }
0x61: {  	[tilespmem:s24+$0x85A0] =	vst.add.f32.msk $0xffff, v27  }
0x62: {  	[tilespmem:s24+$0x85B0] =	vst.add.f32.msk $0xffff, v28  }
0x63: {  	[tilespmem:s24+$0x85C0] =	vst.add.f32.msk $0xffff, v29  }
0x64: {  	s28 =	simm.s32 $0x0;
	s4 =	simm.s32 $0x800;
	[tilespmem:s24+$0x85D0] =	vst.add.f32.msk $0xffff, v30  }
.LBB2_2:
0x65: {  	s28 =	sadd.s32 $0x4, s28;
	[tilespmem:s24+$0x85E0] =	vst.add.f32.msk $0xffff, v0;
	s24 =	sshra.s32 s4, $0x2  }
0x66: {  	v0 =	vld [tilespmem:s24+$0x5F0];
	p0 =	slt.u32 s28, $0x7C  }
0x67: {  	v1 =	vld [tilespmem:s24+$0x400]  }
0x68: {  	v2 =	vld [tilespmem:s24+$0x410]  }
0x69: {  	v3 =	vld [tilespmem:s24+$0x420]  }
0x6a: {  	v4 =	vld [tilespmem:s24+$0x430]  }
0x6b: {  	[tilespmem:s24+$0x85F0] =	vst.add.f32.msk $0xffff, v0  }
0x6c: {  	v5 =	vld [tilespmem:s24+$0x440]  }
0x6d: {  	v6 =	vld [tilespmem:s24+$0x450]  }
0x6e: {  	v7 =	vld [tilespmem:s24+$0x460]  }
0x6f: {  	v8 =	vld [tilespmem:s24+$0x470]  }
0x70: {  	v9 =	vld [tilespmem:s24+$0x480]  }
0x71: {  	v10 =	vld [tilespmem:s24+$0x490]  }
0x72: {  	v11 =	vld [tilespmem:s24+$0x4A0]  }
0x73: {  	v12 =	vld [tilespmem:s24+$0x4B0]  }
0x74: {  	v13 =	vld [tilespmem:s24+$0x4C0]  }
0x75: {  	v14 =	vld [tilespmem:s24+$0x4D0]  }
0x76: {  	v15 =	vld [tilespmem:s24+$0x4E0]  }
0x77: {  	v16 =	vld [tilespmem:s24+$0x4F0]  }
0x78: {  	v17 =	vld [tilespmem:s24+$0x500]  }
0x79: {  	v18 =	vld [tilespmem:s24+$0x510]  }
0x7a: {  	v19 =	vld [tilespmem:s24+$0x520]  }
0x7b: {  	v20 =	vld [tilespmem:s24+$0x530]  }
0x7c: {  	v21 =	vld [tilespmem:s24+$0x540]  }
0x7d: {  	v22 =	vld [tilespmem:s24+$0x550]  }
0x7e: {  	v23 =	vld [tilespmem:s24+$0x560]  }
0x7f: {  	v24 =	vld [tilespmem:s24+$0x570]  }
0x80: {  	v25 =	vld [tilespmem:s24+$0x580]  }
0x81: {  	v26 =	vld [tilespmem:s24+$0x590]  }
0x82: {  	v27 =	vld [tilespmem:s24+$0x5A0]  }
0x83: {  	v28 =	vld [tilespmem:s24+$0x5B0]  }
0x84: {  	v29 =	vld [tilespmem:s24+$0x5C0]  }
0x85: {  	v30 =	vld [tilespmem:s24+$0x5D0]  }
0x86: {  	v0 =	vld [tilespmem:s24+$0x5E0]  }
0x87: {  	[tilespmem:s24+$0x8400] =	vst.add.f32.msk $0xffff, v1  }
0x88: {  	[tilespmem:s24+$0x8410] =	vst.add.f32.msk $0xffff, v2  }
0x89: {  	[tilespmem:s24+$0x8420] =	vst.add.f32.msk $0xffff, v3  }
0x8a: {  	[tilespmem:s24+$0x8430] =	vst.add.f32.msk $0xffff, v4  }
0x8b: {  	[tilespmem:s24+$0x8440] =	vst.add.f32.msk $0xffff, v5  }
0x8c: {  	[tilespmem:s24+$0x8450] =	vst.add.f32.msk $0xffff, v6  }
0x8d: {  	[tilespmem:s24+$0x8460] =	vst.add.f32.msk $0xffff, v7  }
0x8e: {  	[tilespmem:s24+$0x8470] =	vst.add.f32.msk $0xffff, v8  }
0x8f: {  	[tilespmem:s24+$0x8480] =	vst.add.f32.msk $0xffff, v9  }
0x90: {  	[tilespmem:s24+$0x8490] =	vst.add.f32.msk $0xffff, v10  }
0x91: {  	[tilespmem:s24+$0x84A0] =	vst.add.f32.msk $0xffff, v11  }
0x92: {  	[tilespmem:s24+$0x84B0] =	vst.add.f32.msk $0xffff, v12  }
0x93: {  	[tilespmem:s24+$0x84C0] =	vst.add.f32.msk $0xffff, v13  }
0x94: {  	[tilespmem:s24+$0x84D0] =	vst.add.f32.msk $0xffff, v14  }
0x95: {  	[tilespmem:s24+$0x84E0] =	vst.add.f32.msk $0xffff, v15  }
0x96: {  	[tilespmem:s24+$0x84F0] =	vst.add.f32.msk $0xffff, v16  }
0x97: {  	[tilespmem:s24+$0x8500] =	vst.add.f32.msk $0xffff, v17  }
0x98: {  	[tilespmem:s24+$0x8510] =	vst.add.f32.msk $0xffff, v18  }
0x99: {  	[tilespmem:s24+$0x8520] =	vst.add.f32.msk $0xffff, v19  }
0x9a: {  	[tilespmem:s24+$0x8530] =	vst.add.f32.msk $0xffff, v20  }
0x9b: {  	[tilespmem:s24+$0x8540] =	vst.add.f32.msk $0xffff, v21  }
0x9c: {  	[tilespmem:s24+$0x8550] =	vst.add.f32.msk $0xffff, v22  }
0x9d: {  	[tilespmem:s24+$0x8560] =	vst.add.f32.msk $0xffff, v23  }
0x9e: {  	[tilespmem:s24+$0x8570] =	vst.add.f32.msk $0xffff, v24  }
0x9f: {  	[tilespmem:s24+$0x8580] =	vst.add.f32.msk $0xffff, v25  }
.Ltmp0:
0xa0: {  	[tilespmem:s24+$0x8590] =	vst.add.f32.msk $0xffff, v26;
	(pc) =	sbr.rel @p0 .LBB2_2-.Ltmp0, $4  }
0xa1: {  	[tilespmem:s24+$0x85A0] =	vst.add.f32.msk $0xffff, v27  }
0xa2: {  	[tilespmem:s24+$0x85B0] =	vst.add.f32.msk $0xffff, v28  }
0xa3: {  	[tilespmem:s24+$0x85C0] =	vst.add.f32.msk $0xffff, v29  }
0xa4: {  	s4 =	sadd.s32 $0x800, s4;
	[tilespmem:s24+$0x85D0] =	vst.add.f32.msk $0xffff, v30  }
0xa5: {  	[tilespmem:s24+$0x85E0] =	vst.add.f32.msk $0xffff, v0;
	s4 =	simm.s32 $0x0  }
0xa6: {  	[hbm4b:s6+s4] =	stream.linear.scatter [tilespmem:s18], [sflag:$0x1], $0x4000, $0x38;
	[tilespmem:$0x1C400] =	vst v63  }
0xa7: {  	s24 =	simm.s32 $0x18400;
	s4 =	simm.s32 $0x200  }
0xa8: {  	[tilespmem:s24], [sflag:$0x6] =	stream.indirect.gather [hbm4b:s1+s17], $0x80, s4, s17, $0xb8;
	[tilespmem:$0x1C400] =	vst v63  }
0xa9: {  	_ =	swait.ge [sflag:s29], $0x4000  }
0xaa: {  	[sflag:s29] =	ssyncset.done $0x0  }
0xab: {  	s24 =	simm.s32 $0x0;
	[sflag:s29] =	ssyncadd.s32 $0xFFFFC000  }
0xac: {  	v0 =	vld [tilespmem:s24+$0x45F0]  }
0xad: {  	v1 =	vld [tilespmem:s24+$0x4400]  }
0xae: {  	v2 =	vld [tilespmem:s24+$0x4410]  }
0xaf: {  	v3 =	vld [tilespmem:s24+$0x4420]  }
0xb0: {  	v4 =	vld [tilespmem:s24+$0x4430]  }
0xb1: {  	v5 =	vld [tilespmem:s24+$0x4440]  }
0xb2: {  	v6 =	vld [tilespmem:s24+$0x4450]  }
0xb3: {  	v7 =	vld [tilespmem:s24+$0x4460]  }
0xb4: {  	v8 =	vld [tilespmem:s24+$0x4470]  }
0xb5: {  	v9 =	vld [tilespmem:s24+$0x4480]  }
0xb6: {  	v10 =	vld [tilespmem:s24+$0x4490]  }
0xb7: {  	v11 =	vld [tilespmem:s24+$0x44A0]  }
0xb8: {  	v12 =	vld [tilespmem:s24+$0x44B0]  }
0xb9: {  	v13 =	vld [tilespmem:s24+$0x44C0]  }
0xba: {  	v14 =	vld [tilespmem:s24+$0x44D0]  }
0xbb: {  	v15 =	vld [tilespmem:s24+$0x44E0]  }
0xbc: {  	v16 =	vld [tilespmem:s24+$0x44F0]  }
0xbd: {  	v17 =	vld [tilespmem:s24+$0x4500]  }
0xbe: {  	v18 =	vld [tilespmem:s24+$0x4510]  }
0xbf: {  	v19 =	vld [tilespmem:s24+$0x4520]  }
0xc0: {  	v20 =	vld [tilespmem:s24+$0x4530]  }
0xc1: {  	v21 =	vld [tilespmem:s24+$0x4540]  }
0xc2: {  	v22 =	vld [tilespmem:s24+$0x4550]  }
0xc3: {  	v23 =	vld [tilespmem:s24+$0x4560]  }
0xc4: {  	v24 =	vld [tilespmem:s24+$0x4570]  }
0xc5: {  	v25 =	vld [tilespmem:s24+$0x4580]  }
0xc6: {  	v26 =	vld [tilespmem:s24+$0x4590]  }
0xc7: {  	v27 =	vld [tilespmem:s24+$0x45A0]  }
0xc8: {  	v28 =	vld [tilespmem:s24+$0x45B0]  }
0xc9: {  	v29 =	vld [tilespmem:s24+$0x45C0]  }
0xca: {  	v30 =	vld [tilespmem:s24+$0x45D0]  }
0xcb: {  	[tilespmem:s24+$0xC5F0] =	vst.add.f32.msk $0xffff, v0  }
0xcc: {  	v0 =	vld [tilespmem:s24+$0x45E0]  }
0xcd: {  	[tilespmem:s24+$0xC400] =	vst.add.f32.msk $0xffff, v1  }
0xce: {  	[tilespmem:s24+$0xC410] =	vst.add.f32.msk $0xffff, v2  }
0xcf: {  	[tilespmem:s24+$0xC420] =	vst.add.f32.msk $0xffff, v3  }
0xd0: {  	[tilespmem:s24+$0xC430] =	vst.add.f32.msk $0xffff, v4  }
0xd1: {  	[tilespmem:s24+$0xC440] =	vst.add.f32.msk $0xffff, v5  }
0xd2: {  	[tilespmem:s24+$0xC450] =	vst.add.f32.msk $0xffff, v6  }
0xd3: {  	[tilespmem:s24+$0xC460] =	vst.add.f32.msk $0xffff, v7  }
0xd4: {  	[tilespmem:s24+$0xC470] =	vst.add.f32.msk $0xffff, v8  }
0xd5: {  	[tilespmem:s24+$0xC480] =	vst.add.f32.msk $0xffff, v9  }
0xd6: {  	[tilespmem:s24+$0xC490] =	vst.add.f32.msk $0xffff, v10  }
0xd7: {  	[tilespmem:s24+$0xC4A0] =	vst.add.f32.msk $0xffff, v11  }
0xd8: {  	[tilespmem:s24+$0xC4B0] =	vst.add.f32.msk $0xffff, v12  }
0xd9: {  	[tilespmem:s24+$0xC4C0] =	vst.add.f32.msk $0xffff, v13  }
0xda: {  	[tilespmem:s24+$0xC4D0] =	vst.add.f32.msk $0xffff, v14  }
0xdb: {  	[tilespmem:s24+$0xC4E0] =	vst.add.f32.msk $0xffff, v15  }
0xdc: {  	[tilespmem:s24+$0xC4F0] =	vst.add.f32.msk $0xffff, v16  }
0xdd: {  	[tilespmem:s24+$0xC500] =	vst.add.f32.msk $0xffff, v17  }
0xde: {  	[tilespmem:s24+$0xC510] =	vst.add.f32.msk $0xffff, v18  }
0xdf: {  	[tilespmem:s24+$0xC520] =	vst.add.f32.msk $0xffff, v19  }
0xe0: {  	[tilespmem:s24+$0xC530] =	vst.add.f32.msk $0xffff, v20  }
0xe1: {  	[tilespmem:s24+$0xC540] =	vst.add.f32.msk $0xffff, v21  }
0xe2: {  	[tilespmem:s24+$0xC550] =	vst.add.f32.msk $0xffff, v22  }
0xe3: {  	[tilespmem:s24+$0xC560] =	vst.add.f32.msk $0xffff, v23  }
0xe4: {  	[tilespmem:s24+$0xC570] =	vst.add.f32.msk $0xffff, v24  }
0xe5: {  	[tilespmem:s24+$0xC580] =	vst.add.f32.msk $0xffff, v25  }
0xe6: {  	[tilespmem:s24+$0xC590] =	vst.add.f32.msk $0xffff, v26  }
0xe7: {  	[tilespmem:s24+$0xC5A0] =	vst.add.f32.msk $0xffff, v27  }
0xe8: {  	[tilespmem:s24+$0xC5B0] =	vst.add.f32.msk $0xffff, v28  }
0xe9: {  	[tilespmem:s24+$0xC5C0] =	vst.add.f32.msk $0xffff, v29  }
0xea: {  	s28 =	simm.s32 $0x0;
	s4 =	simm.s32 $0x800;
	[tilespmem:s24+$0xC5D0] =	vst.add.f32.msk $0xffff, v30  }
.LBB2_4:
0xeb: {  	s28 =	sadd.s32 $0x4, s28;
	[tilespmem:s24+$0xC5E0] =	vst.add.f32.msk $0xffff, v0;
	s24 =	sshra.s32 s4, $0x2  }
0xec: {  	v0 =	vld [tilespmem:s24+$0x45F0];
	p0 =	slt.u32 s28, $0x7C  }
0xed: {  	v1 =	vld [tilespmem:s24+$0x4400]  }
0xee: {  	v2 =	vld [tilespmem:s24+$0x4410]  }
0xef: {  	v3 =	vld [tilespmem:s24+$0x4420]  }
0xf0: {  	v4 =	vld [tilespmem:s24+$0x4430]  }
0xf1: {  	[tilespmem:s24+$0xC5F0] =	vst.add.f32.msk $0xffff, v0  }
0xf2: {  	v5 =	vld [tilespmem:s24+$0x4440]  }
0xf3: {  	v6 =	vld [tilespmem:s24+$0x4450]  }
0xf4: {  	v7 =	vld [tilespmem:s24+$0x4460]  }
0xf5: {  	v8 =	vld [tilespmem:s24+$0x4470]  }
0xf6: {  	v9 =	vld [tilespmem:s24+$0x4480]  }
0xf7: {  	v10 =	vld [tilespmem:s24+$0x4490]  }
0xf8: {  	v11 =	vld [tilespmem:s24+$0x44A0]  }
0xf9: {  	v12 =	vld [tilespmem:s24+$0x44B0]  }
0xfa: {  	v13 =	vld [tilespmem:s24+$0x44C0]  }
0xfb: {  	v14 =	vld [tilespmem:s24+$0x44D0]  }
0xfc: {  	v15 =	vld [tilespmem:s24+$0x44E0]  }
0xfd: {  	v16 =	vld [tilespmem:s24+$0x44F0]  }
0xfe: {  	v17 =	vld [tilespmem:s24+$0x4500]  }
0xff: {  	v18 =	vld [tilespmem:s24+$0x4510]  }
0x100: {  	v19 =	vld [tilespmem:s24+$0x4520]  }
0x101: {  	v20 =	vld [tilespmem:s24+$0x4530]  }
0x102: {  	v21 =	vld [tilespmem:s24+$0x4540]  }
0x103: {  	v22 =	vld [tilespmem:s24+$0x4550]  }
0x104: {  	v23 =	vld [tilespmem:s24+$0x4560]  }
0x105: {  	v24 =	vld [tilespmem:s24+$0x4570]  }
0x106: {  	v25 =	vld [tilespmem:s24+$0x4580]  }
0x107: {  	v26 =	vld [tilespmem:s24+$0x4590]  }
0x108: {  	v27 =	vld [tilespmem:s24+$0x45A0]  }
0x109: {  	v28 =	vld [tilespmem:s24+$0x45B0]  }
0x10a: {  	v29 =	vld [tilespmem:s24+$0x45C0]  }
0x10b: {  	v30 =	vld [tilespmem:s24+$0x45D0]  }
0x10c: {  	v0 =	vld [tilespmem:s24+$0x45E0]  }
0x10d: {  	[tilespmem:s24+$0xC400] =	vst.add.f32.msk $0xffff, v1  }
0x10e: {  	[tilespmem:s24+$0xC410] =	vst.add.f32.msk $0xffff, v2  }
0x10f: {  	[tilespmem:s24+$0xC420] =	vst.add.f32.msk $0xffff, v3  }
0x110: {  	[tilespmem:s24+$0xC430] =	vst.add.f32.msk $0xffff, v4  }
0x111: {  	[tilespmem:s24+$0xC440] =	vst.add.f32.msk $0xffff, v5  }
0x112: {  	[tilespmem:s24+$0xC450] =	vst.add.f32.msk $0xffff, v6  }
0x113: {  	[tilespmem:s24+$0xC460] =	vst.add.f32.msk $0xffff, v7  }
0x114: {  	[tilespmem:s24+$0xC470] =	vst.add.f32.msk $0xffff, v8  }
0x115: {  	[tilespmem:s24+$0xC480] =	vst.add.f32.msk $0xffff, v9  }
0x116: {  	[tilespmem:s24+$0xC490] =	vst.add.f32.msk $0xffff, v10  }
0x117: {  	[tilespmem:s24+$0xC4A0] =	vst.add.f32.msk $0xffff, v11  }
0x118: {  	[tilespmem:s24+$0xC4B0] =	vst.add.f32.msk $0xffff, v12  }
0x119: {  	[tilespmem:s24+$0xC4C0] =	vst.add.f32.msk $0xffff, v13  }
0x11a: {  	[tilespmem:s24+$0xC4D0] =	vst.add.f32.msk $0xffff, v14  }
0x11b: {  	[tilespmem:s24+$0xC4E0] =	vst.add.f32.msk $0xffff, v15  }
0x11c: {  	[tilespmem:s24+$0xC4F0] =	vst.add.f32.msk $0xffff, v16  }
0x11d: {  	[tilespmem:s24+$0xC500] =	vst.add.f32.msk $0xffff, v17  }
0x11e: {  	[tilespmem:s24+$0xC510] =	vst.add.f32.msk $0xffff, v18  }
0x11f: {  	[tilespmem:s24+$0xC520] =	vst.add.f32.msk $0xffff, v19  }
0x120: {  	[tilespmem:s24+$0xC530] =	vst.add.f32.msk $0xffff, v20  }
0x121: {  	[tilespmem:s24+$0xC540] =	vst.add.f32.msk $0xffff, v21  }
0x122: {  	[tilespmem:s24+$0xC550] =	vst.add.f32.msk $0xffff, v22  }
0x123: {  	[tilespmem:s24+$0xC560] =	vst.add.f32.msk $0xffff, v23  }
0x124: {  	[tilespmem:s24+$0xC570] =	vst.add.f32.msk $0xffff, v24  }
0x125: {  	[tilespmem:s24+$0xC580] =	vst.add.f32.msk $0xffff, v25  }
.Ltmp1:
0x126: {  	[tilespmem:s24+$0xC590] =	vst.add.f32.msk $0xffff, v26;
	(pc) =	sbr.rel @p0 .LBB2_4-.Ltmp1, $4  }
0x127: {  	[tilespmem:s24+$0xC5A0] =	vst.add.f32.msk $0xffff, v27  }
0x128: {  	[tilespmem:s24+$0xC5B0] =	vst.add.f32.msk $0xffff, v28  }
0x129: {  	[tilespmem:s24+$0xC5C0] =	vst.add.f32.msk $0xffff, v29  }
0x12a: {  	s4 =	sadd.s32 $0x800, s4;
	[tilespmem:s24+$0xC5D0] =	vst.add.f32.msk $0xffff, v30  }
0x12b: {  	[tilespmem:s24+$0xC5E0] =	vst.add.f32.msk $0xffff, v0;
	s4 =	simm.s32 $0x0  }
0x12c: {  	[hbm4b:s7+s4] =	stream.linear.scatter [tilespmem:s19], [sflag:$0x2], $0x4000, $0x38;
	[tilespmem:$0x1C400] =	vst v63  }
0x12d: {  	_ =	swait.ge [sflag:s30], $0x4000  }
0x12e: {  	[sflag:s30] =	ssyncset.done $0x0  }
0x12f: {  	s24 =	simm.s32 $0x280;
	[sflag:s30] =	ssyncadd.s32 $0xFFFFC000  }
0x130: {  	[tilespmem:s18], [sflag:$0x7] =	stream.indirect.gather [hbm4b:s1+s17], $0x80, s24, s17, $0xb8;
	[tilespmem:$0x1C400] =	vst v63  }
0x131: {  	_ =	swait.ge [sflag:s0], $0x4000  }
0x132: {  	[sflag:s0] =	ssyncset.done $0x0  }
0x133: {  	s24 =	simm.s32 $0x0;
	[sflag:s0] =	ssyncadd.s32 $0xFFFFC000  }
0x134: {  	v0 =	vld [tilespmem:s24+$0x5F0]  }
0x135: {  	v1 =	vld [tilespmem:s24+$0x400]  }
0x136: {  	v2 =	vld [tilespmem:s24+$0x410]  }
0x137: {  	v3 =	vld [tilespmem:s24+$0x420]  }
0x138: {  	v4 =	vld [tilespmem:s24+$0x430]  }
0x139: {  	v5 =	vld [tilespmem:s24+$0x440]  }
0x13a: {  	v6 =	vld [tilespmem:s24+$0x450]  }
0x13b: {  	v7 =	vld [tilespmem:s24+$0x460]  }
0x13c: {  	v8 =	vld [tilespmem:s24+$0x470]  }
0x13d: {  	v9 =	vld [tilespmem:s24+$0x480]  }
0x13e: {  	v10 =	vld [tilespmem:s24+$0x490]  }
0x13f: {  	v11 =	vld [tilespmem:s24+$0x4A0]  }
0x140: {  	v12 =	vld [tilespmem:s24+$0x4B0]  }
0x141: {  	v13 =	vld [tilespmem:s24+$0x4C0]  }
0x142: {  	v14 =	vld [tilespmem:s24+$0x4D0]  }
0x143: {  	v15 =	vld [tilespmem:s24+$0x4E0]  }
0x144: {  	v16 =	vld [tilespmem:s24+$0x4F0]  }
0x145: {  	v17 =	vld [tilespmem:s24+$0x500]  }
0x146: {  	v18 =	vld [tilespmem:s24+$0x510]  }
0x147: {  	v19 =	vld [tilespmem:s24+$0x520]  }
0x148: {  	v20 =	vld [tilespmem:s24+$0x530]  }
0x149: {  	v21 =	vld [tilespmem:s24+$0x540]  }
0x14a: {  	v22 =	vld [tilespmem:s24+$0x550]  }
0x14b: {  	v23 =	vld [tilespmem:s24+$0x560]  }
0x14c: {  	v24 =	vld [tilespmem:s24+$0x570]  }
0x14d: {  	v25 =	vld [tilespmem:s24+$0x580]  }
0x14e: {  	v26 =	vld [tilespmem:s24+$0x590]  }
0x14f: {  	v27 =	vld [tilespmem:s24+$0x5A0]  }
0x150: {  	v28 =	vld [tilespmem:s24+$0x5B0]  }
0x151: {  	v29 =	vld [tilespmem:s24+$0x5C0]  }
0x152: {  	v30 =	vld [tilespmem:s24+$0x5D0]  }
0x153: {  	[tilespmem:s24+$0x105F0] =	vst.add.f32.msk $0xffff, v0  }
0x154: {  	v0 =	vld [tilespmem:s24+$0x5E0]  }
0x155: {  	[tilespmem:s24+$0x10400] =	vst.add.f32.msk $0xffff, v1  }
0x156: {  	[tilespmem:s24+$0x10410] =	vst.add.f32.msk $0xffff, v2  }
0x157: {  	[tilespmem:s24+$0x10420] =	vst.add.f32.msk $0xffff, v3  }
0x158: {  	[tilespmem:s24+$0x10430] =	vst.add.f32.msk $0xffff, v4  }
0x159: {  	[tilespmem:s24+$0x10440] =	vst.add.f32.msk $0xffff, v5  }
0x15a: {  	[tilespmem:s24+$0x10450] =	vst.add.f32.msk $0xffff, v6  }
0x15b: {  	[tilespmem:s24+$0x10460] =	vst.add.f32.msk $0xffff, v7  }
0x15c: {  	[tilespmem:s24+$0x10470] =	vst.add.f32.msk $0xffff, v8  }
0x15d: {  	[tilespmem:s24+$0x10480] =	vst.add.f32.msk $0xffff, v9  }
0x15e: {  	[tilespmem:s24+$0x10490] =	vst.add.f32.msk $0xffff, v10  }
0x15f: {  	[tilespmem:s24+$0x104A0] =	vst.add.f32.msk $0xffff, v11  }
0x160: {  	[tilespmem:s24+$0x104B0] =	vst.add.f32.msk $0xffff, v12  }
0x161: {  	[tilespmem:s24+$0x104C0] =	vst.add.f32.msk $0xffff, v13  }
0x162: {  	[tilespmem:s24+$0x104D0] =	vst.add.f32.msk $0xffff, v14  }
0x163: {  	[tilespmem:s24+$0x104E0] =	vst.add.f32.msk $0xffff, v15  }
0x164: {  	[tilespmem:s24+$0x104F0] =	vst.add.f32.msk $0xffff, v16  }
0x165: {  	[tilespmem:s24+$0x10500] =	vst.add.f32.msk $0xffff, v17  }
0x166: {  	[tilespmem:s24+$0x10510] =	vst.add.f32.msk $0xffff, v18  }
0x167: {  	[tilespmem:s24+$0x10520] =	vst.add.f32.msk $0xffff, v19  }
0x168: {  	[tilespmem:s24+$0x10530] =	vst.add.f32.msk $0xffff, v20  }
0x169: {  	[tilespmem:s24+$0x10540] =	vst.add.f32.msk $0xffff, v21  }
0x16a: {  	[tilespmem:s24+$0x10550] =	vst.add.f32.msk $0xffff, v22  }
0x16b: {  	[tilespmem:s24+$0x10560] =	vst.add.f32.msk $0xffff, v23  }
0x16c: {  	[tilespmem:s24+$0x10570] =	vst.add.f32.msk $0xffff, v24  }
0x16d: {  	[tilespmem:s24+$0x10580] =	vst.add.f32.msk $0xffff, v25  }
0x16e: {  	[tilespmem:s24+$0x10590] =	vst.add.f32.msk $0xffff, v26  }
0x16f: {  	[tilespmem:s24+$0x105A0] =	vst.add.f32.msk $0xffff, v27  }
0x170: {  	[tilespmem:s24+$0x105B0] =	vst.add.f32.msk $0xffff, v28  }
0x171: {  	[tilespmem:s24+$0x105C0] =	vst.add.f32.msk $0xffff, v29  }
0x172: {  	s28 =	simm.s32 $0x0;
	s4 =	simm.s32 $0x800;
	[tilespmem:s24+$0x105D0] =	vst.add.f32.msk $0xffff, v30  }
.LBB2_6:
0x173: {  	s28 =	sadd.s32 $0x4, s28;
	[tilespmem:s24+$0x105E0] =	vst.add.f32.msk $0xffff, v0;
	s24 =	sshra.s32 s4, $0x2  }
0x174: {  	v0 =	vld [tilespmem:s24+$0x5F0];
	p0 =	slt.u32 s28, $0x7C  }
0x175: {  	v1 =	vld [tilespmem:s24+$0x400]  }
0x176: {  	v2 =	vld [tilespmem:s24+$0x410]  }
0x177: {  	v3 =	vld [tilespmem:s24+$0x420]  }
0x178: {  	v4 =	vld [tilespmem:s24+$0x430]  }
0x179: {  	[tilespmem:s24+$0x105F0] =	vst.add.f32.msk $0xffff, v0  }
0x17a: {  	v5 =	vld [tilespmem:s24+$0x440]  }
0x17b: {  	v6 =	vld [tilespmem:s24+$0x450]  }
0x17c: {  	v7 =	vld [tilespmem:s24+$0x460]  }
0x17d: {  	v8 =	vld [tilespmem:s24+$0x470]  }
0x17e: {  	v9 =	vld [tilespmem:s24+$0x480]  }
0x17f: {  	v10 =	vld [tilespmem:s24+$0x490]  }
0x180: {  	v11 =	vld [tilespmem:s24+$0x4A0]  }
0x181: {  	v12 =	vld [tilespmem:s24+$0x4B0]  }
0x182: {  	v13 =	vld [tilespmem:s24+$0x4C0]  }
0x183: {  	v14 =	vld [tilespmem:s24+$0x4D0]  }
0x184: {  	v15 =	vld [tilespmem:s24+$0x4E0]  }
0x185: {  	v16 =	vld [tilespmem:s24+$0x4F0]  }
0x186: {  	v17 =	vld [tilespmem:s24+$0x500]  }
0x187: {  	v18 =	vld [tilespmem:s24+$0x510]  }
0x188: {  	v19 =	vld [tilespmem:s24+$0x520]  }
0x189: {  	v20 =	vld [tilespmem:s24+$0x530]  }
0x18a: {  	v21 =	vld [tilespmem:s24+$0x540]  }
0x18b: {  	v22 =	vld [tilespmem:s24+$0x550]  }
0x18c: {  	v23 =	vld [tilespmem:s24+$0x560]  }
0x18d: {  	v24 =	vld [tilespmem:s24+$0x570]  }
0x18e: {  	v25 =	vld [tilespmem:s24+$0x580]  }
0x18f: {  	v26 =	vld [tilespmem:s24+$0x590]  }
0x190: {  	v27 =	vld [tilespmem:s24+$0x5A0]  }
0x191: {  	v28 =	vld [tilespmem:s24+$0x5B0]  }
0x192: {  	v29 =	vld [tilespmem:s24+$0x5C0]  }
0x193: {  	v30 =	vld [tilespmem:s24+$0x5D0]  }
0x194: {  	v0 =	vld [tilespmem:s24+$0x5E0]  }
0x195: {  	[tilespmem:s24+$0x10400] =	vst.add.f32.msk $0xffff, v1  }
0x196: {  	[tilespmem:s24+$0x10410] =	vst.add.f32.msk $0xffff, v2  }
0x197: {  	[tilespmem:s24+$0x10420] =	vst.add.f32.msk $0xffff, v3  }
0x198: {  	[tilespmem:s24+$0x10430] =	vst.add.f32.msk $0xffff, v4  }
0x199: {  	[tilespmem:s24+$0x10440] =	vst.add.f32.msk $0xffff, v5  }
0x19a: {  	[tilespmem:s24+$0x10450] =	vst.add.f32.msk $0xffff, v6  }
0x19b: {  	[tilespmem:s24+$0x10460] =	vst.add.f32.msk $0xffff, v7  }
0x19c: {  	[tilespmem:s24+$0x10470] =	vst.add.f32.msk $0xffff, v8  }
0x19d: {  	[tilespmem:s24+$0x10480] =	vst.add.f32.msk $0xffff, v9  }
0x19e: {  	[tilespmem:s24+$0x10490] =	vst.add.f32.msk $0xffff, v10  }
0x19f: {  	[tilespmem:s24+$0x104A0] =	vst.add.f32.msk $0xffff, v11  }
0x1a0: {  	[tilespmem:s24+$0x104B0] =	vst.add.f32.msk $0xffff, v12  }
0x1a1: {  	[tilespmem:s24+$0x104C0] =	vst.add.f32.msk $0xffff, v13  }
0x1a2: {  	[tilespmem:s24+$0x104D0] =	vst.add.f32.msk $0xffff, v14  }
0x1a3: {  	[tilespmem:s24+$0x104E0] =	vst.add.f32.msk $0xffff, v15  }
0x1a4: {  	[tilespmem:s24+$0x104F0] =	vst.add.f32.msk $0xffff, v16  }
0x1a5: {  	[tilespmem:s24+$0x10500] =	vst.add.f32.msk $0xffff, v17  }
0x1a6: {  	[tilespmem:s24+$0x10510] =	vst.add.f32.msk $0xffff, v18  }
0x1a7: {  	[tilespmem:s24+$0x10520] =	vst.add.f32.msk $0xffff, v19  }
0x1a8: {  	[tilespmem:s24+$0x10530] =	vst.add.f32.msk $0xffff, v20  }
0x1a9: {  	[tilespmem:s24+$0x10540] =	vst.add.f32.msk $0xffff, v21  }
0x1aa: {  	[tilespmem:s24+$0x10550] =	vst.add.f32.msk $0xffff, v22  }
0x1ab: {  	[tilespmem:s24+$0x10560] =	vst.add.f32.msk $0xffff, v23  }
0x1ac: {  	[tilespmem:s24+$0x10570] =	vst.add.f32.msk $0xffff, v24  }
0x1ad: {  	[tilespmem:s24+$0x10580] =	vst.add.f32.msk $0xffff, v25  }
.Ltmp2:
0x1ae: {  	[tilespmem:s24+$0x10590] =	vst.add.f32.msk $0xffff, v26;
	(pc) =	sbr.rel @p0 .LBB2_6-.Ltmp2, $4  }
0x1af: {  	[tilespmem:s24+$0x105A0] =	vst.add.f32.msk $0xffff, v27  }
0x1b0: {  	[tilespmem:s24+$0x105B0] =	vst.add.f32.msk $0xffff, v28  }
0x1b1: {  	[tilespmem:s24+$0x105C0] =	vst.add.f32.msk $0xffff, v29  }
0x1b2: {  	s4 =	sadd.s32 $0x800, s4;
	[tilespmem:s24+$0x105D0] =	vst.add.f32.msk $0xffff, v30  }
0x1b3: {  	[tilespmem:s24+$0x105E0] =	vst.add.f32.msk $0xffff, v0;
	s4 =	simm.s32 $0x0  }
0x1b4: {  	[hbm4b:s8+s4] =	stream.linear.scatter [tilespmem:s21], [sflag:$0x3], $0x4000, $0x38;
	[tilespmem:$0x1C400] =	vst v63  }
0x1b5: {  	_ =	swait.ge [sflag:s2], $0x4000  }
0x1b6: {  	[sflag:s2] =	ssyncset.done $0x0  }
0x1b7: {  	s24 =	simm.s32 $0x300;
	[sflag:s2] =	ssyncadd.s32 $0xFFFFC000  }
0x1b8: {  	[tilespmem:s19], [sflag:$0x8] =	stream.indirect.gather [hbm4b:s1+s17], $0x80, s24, s17, $0xb8;
	[tilespmem:$0x1C400] =	vst v63  }
0x1b9: {  	_ =	swait.ge [sflag:s20], $0x4000  }
0x1ba: {  	[sflag:s20] =	ssyncset.done $0x0  }
0x1bb: {  	s24 =	simm.s32 $0x0;
	[sflag:s20] =	ssyncadd.s32 $0xFFFFC000  }
0x1bc: {  	v0 =	vld [tilespmem:s24+$0x45F0]  }
0x1bd: {  	v1 =	vld [tilespmem:s24+$0x4400]  }
0x1be: {  	v2 =	vld [tilespmem:s24+$0x4410]  }
0x1bf: {  	v3 =	vld [tilespmem:s24+$0x4420]  }
0x1c0: {  	v4 =	vld [tilespmem:s24+$0x4430]  }
0x1c1: {  	v5 =	vld [tilespmem:s24+$0x4440]  }
0x1c2: {  	v6 =	vld [tilespmem:s24+$0x4450]  }
0x1c3: {  	v7 =	vld [tilespmem:s24+$0x4460]  }
0x1c4: {  	v8 =	vld [tilespmem:s24+$0x4470]  }
0x1c5: {  	v9 =	vld [tilespmem:s24+$0x4480]  }
0x1c6: {  	v10 =	vld [tilespmem:s24+$0x4490]  }
0x1c7: {  	v11 =	vld [tilespmem:s24+$0x44A0]  }
0x1c8: {  	v12 =	vld [tilespmem:s24+$0x44B0]  }
0x1c9: {  	v13 =	vld [tilespmem:s24+$0x44C0]  }
0x1ca: {  	v14 =	vld [tilespmem:s24+$0x44D0]  }
0x1cb: {  	v15 =	vld [tilespmem:s24+$0x44E0]  }
0x1cc: {  	v16 =	vld [tilespmem:s24+$0x44F0]  }
0x1cd: {  	v17 =	vld [tilespmem:s24+$0x4500]  }
0x1ce: {  	v18 =	vld [tilespmem:s24+$0x4510]  }
0x1cf: {  	v19 =	vld [tilespmem:s24+$0x4520]  }
0x1d0: {  	v20 =	vld [tilespmem:s24+$0x4530]  }
0x1d1: {  	v21 =	vld [tilespmem:s24+$0x4540]  }
0x1d2: {  	v22 =	vld [tilespmem:s24+$0x4550]  }
0x1d3: {  	v23 =	vld [tilespmem:s24+$0x4560]  }
0x1d4: {  	v24 =	vld [tilespmem:s24+$0x4570]  }
0x1d5: {  	v25 =	vld [tilespmem:s24+$0x4580]  }
0x1d6: {  	v26 =	vld [tilespmem:s24+$0x4590]  }
0x1d7: {  	v27 =	vld [tilespmem:s24+$0x45A0]  }
0x1d8: {  	v28 =	vld [tilespmem:s24+$0x45B0]  }
0x1d9: {  	v29 =	vld [tilespmem:s24+$0x45C0]  }
0x1da: {  	v30 =	vld [tilespmem:s24+$0x45D0]  }
0x1db: {  	[tilespmem:s24+$0x145F0] =	vst.add.f32.msk $0xffff, v0  }
0x1dc: {  	v0 =	vld [tilespmem:s24+$0x45E0]  }
0x1dd: {  	[tilespmem:s24+$0x14400] =	vst.add.f32.msk $0xffff, v1  }
0x1de: {  	[tilespmem:s24+$0x14410] =	vst.add.f32.msk $0xffff, v2  }
0x1df: {  	[tilespmem:s24+$0x14420] =	vst.add.f32.msk $0xffff, v3  }
0x1e0: {  	[tilespmem:s24+$0x14430] =	vst.add.f32.msk $0xffff, v4  }
0x1e1: {  	[tilespmem:s24+$0x14440] =	vst.add.f32.msk $0xffff, v5  }
0x1e2: {  	[tilespmem:s24+$0x14450] =	vst.add.f32.msk $0xffff, v6  }
0x1e3: {  	[tilespmem:s24+$0x14460] =	vst.add.f32.msk $0xffff, v7  }
0x1e4: {  	[tilespmem:s24+$0x14470] =	vst.add.f32.msk $0xffff, v8  }
0x1e5: {  	[tilespmem:s24+$0x14480] =	vst.add.f32.msk $0xffff, v9  }
0x1e6: {  	[tilespmem:s24+$0x14490] =	vst.add.f32.msk $0xffff, v10  }
0x1e7: {  	[tilespmem:s24+$0x144A0] =	vst.add.f32.msk $0xffff, v11  }
0x1e8: {  	[tilespmem:s24+$0x144B0] =	vst.add.f32.msk $0xffff, v12  }
0x1e9: {  	[tilespmem:s24+$0x144C0] =	vst.add.f32.msk $0xffff, v13  }
0x1ea: {  	[tilespmem:s24+$0x144D0] =	vst.add.f32.msk $0xffff, v14  }
0x1eb: {  	[tilespmem:s24+$0x144E0] =	vst.add.f32.msk $0xffff, v15  }
0x1ec: {  	[tilespmem:s24+$0x144F0] =	vst.add.f32.msk $0xffff, v16  }
0x1ed: {  	[tilespmem:s24+$0x14500] =	vst.add.f32.msk $0xffff, v17  }
0x1ee: {  	[tilespmem:s24+$0x14510] =	vst.add.f32.msk $0xffff, v18  }
0x1ef: {  	[tilespmem:s24+$0x14520] =	vst.add.f32.msk $0xffff, v19  }
0x1f0: {  	[tilespmem:s24+$0x14530] =	vst.add.f32.msk $0xffff, v20  }
0x1f1: {  	[tilespmem:s24+$0x14540] =	vst.add.f32.msk $0xffff, v21  }
0x1f2: {  	[tilespmem:s24+$0x14550] =	vst.add.f32.msk $0xffff, v22  }
0x1f3: {  	[tilespmem:s24+$0x14560] =	vst.add.f32.msk $0xffff, v23  }
0x1f4: {  	[tilespmem:s24+$0x14570] =	vst.add.f32.msk $0xffff, v24  }
0x1f5: {  	[tilespmem:s24+$0x14580] =	vst.add.f32.msk $0xffff, v25  }
0x1f6: {  	[tilespmem:s24+$0x14590] =	vst.add.f32.msk $0xffff, v26  }
0x1f7: {  	[tilespmem:s24+$0x145A0] =	vst.add.f32.msk $0xffff, v27  }
0x1f8: {  	[tilespmem:s24+$0x145B0] =	vst.add.f32.msk $0xffff, v28  }
0x1f9: {  	[tilespmem:s24+$0x145C0] =	vst.add.f32.msk $0xffff, v29  }
0x1fa: {  	s28 =	simm.s32 $0x0;
	s4 =	simm.s32 $0x800;
	[tilespmem:s24+$0x145D0] =	vst.add.f32.msk $0xffff, v30  }
.LBB2_8:
0x1fb: {  	s28 =	sadd.s32 $0x4, s28;
	[tilespmem:s24+$0x145E0] =	vst.add.f32.msk $0xffff, v0;
	s24 =	sshra.s32 s4, $0x2  }
0x1fc: {  	v0 =	vld [tilespmem:s24+$0x45F0];
	p0 =	slt.u32 s28, $0x7C  }
0x1fd: {  	v1 =	vld [tilespmem:s24+$0x4400]  }
0x1fe: {  	v2 =	vld [tilespmem:s24+$0x4410]  }
0x1ff: {  	v3 =	vld [tilespmem:s24+$0x4420]  }
0x200: {  	v4 =	vld [tilespmem:s24+$0x4430]  }
0x201: {  	[tilespmem:s24+$0x145F0] =	vst.add.f32.msk $0xffff, v0  }
0x202: {  	v5 =	vld [tilespmem:s24+$0x4440]  }
0x203: {  	v6 =	vld [tilespmem:s24+$0x4450]  }
0x204: {  	v7 =	vld [tilespmem:s24+$0x4460]  }
0x205: {  	v8 =	vld [tilespmem:s24+$0x4470]  }
0x206: {  	v9 =	vld [tilespmem:s24+$0x4480]  }
0x207: {  	v10 =	vld [tilespmem:s24+$0x4490]  }
0x208: {  	v11 =	vld [tilespmem:s24+$0x44A0]  }
0x209: {  	v12 =	vld [tilespmem:s24+$0x44B0]  }
0x20a: {  	v13 =	vld [tilespmem:s24+$0x44C0]  }
0x20b: {  	v14 =	vld [tilespmem:s24+$0x44D0]  }
0x20c: {  	v15 =	vld [tilespmem:s24+$0x44E0]  }
0x20d: {  	v16 =	vld [tilespmem:s24+$0x44F0]  }
0x20e: {  	v17 =	vld [tilespmem:s24+$0x4500]  }
0x20f: {  	v18 =	vld [tilespmem:s24+$0x4510]  }
0x210: {  	v19 =	vld [tilespmem:s24+$0x4520]  }
0x211: {  	v20 =	vld [tilespmem:s24+$0x4530]  }
0x212: {  	v21 =	vld [tilespmem:s24+$0x4540]  }
0x213: {  	v22 =	vld [tilespmem:s24+$0x4550]  }
0x214: {  	v23 =	vld [tilespmem:s24+$0x4560]  }
0x215: {  	v24 =	vld [tilespmem:s24+$0x4570]  }
0x216: {  	v25 =	vld [tilespmem:s24+$0x4580]  }
0x217: {  	v26 =	vld [tilespmem:s24+$0x4590]  }
0x218: {  	v27 =	vld [tilespmem:s24+$0x45A0]  }
0x219: {  	v28 =	vld [tilespmem:s24+$0x45B0]  }
0x21a: {  	v29 =	vld [tilespmem:s24+$0x45C0]  }
0x21b: {  	v30 =	vld [tilespmem:s24+$0x45D0]  }
0x21c: {  	v0 =	vld [tilespmem:s24+$0x45E0]  }
0x21d: {  	[tilespmem:s24+$0x14400] =	vst.add.f32.msk $0xffff, v1  }
0x21e: {  	[tilespmem:s24+$0x14410] =	vst.add.f32.msk $0xffff, v2  }
0x21f: {  	[tilespmem:s24+$0x14420] =	vst.add.f32.msk $0xffff, v3  }
0x220: {  	[tilespmem:s24+$0x14430] =	vst.add.f32.msk $0xffff, v4  }
0x221: {  	[tilespmem:s24+$0x14440] =	vst.add.f32.msk $0xffff, v5  }
0x222: {  	[tilespmem:s24+$0x14450] =	vst.add.f32.msk $0xffff, v6  }
0x223: {  	[tilespmem:s24+$0x14460] =	vst.add.f32.msk $0xffff, v7  }
0x224: {  	[tilespmem:s24+$0x14470] =	vst.add.f32.msk $0xffff, v8  }
0x225: {  	[tilespmem:s24+$0x14480] =	vst.add.f32.msk $0xffff, v9  }
0x226: {  	[tilespmem:s24+$0x14490] =	vst.add.f32.msk $0xffff, v10  }
0x227: {  	[tilespmem:s24+$0x144A0] =	vst.add.f32.msk $0xffff, v11  }
0x228: {  	[tilespmem:s24+$0x144B0] =	vst.add.f32.msk $0xffff, v12  }
0x229: {  	[tilespmem:s24+$0x144C0] =	vst.add.f32.msk $0xffff, v13  }
0x22a: {  	[tilespmem:s24+$0x144D0] =	vst.add.f32.msk $0xffff, v14  }
0x22b: {  	[tilespmem:s24+$0x144E0] =	vst.add.f32.msk $0xffff, v15  }
0x22c: {  	[tilespmem:s24+$0x144F0] =	vst.add.f32.msk $0xffff, v16  }
0x22d: {  	[tilespmem:s24+$0x14500] =	vst.add.f32.msk $0xffff, v17  }
0x22e: {  	[tilespmem:s24+$0x14510] =	vst.add.f32.msk $0xffff, v18  }
0x22f: {  	[tilespmem:s24+$0x14520] =	vst.add.f32.msk $0xffff, v19  }
0x230: {  	[tilespmem:s24+$0x14530] =	vst.add.f32.msk $0xffff, v20  }
0x231: {  	[tilespmem:s24+$0x14540] =	vst.add.f32.msk $0xffff, v21  }
0x232: {  	[tilespmem:s24+$0x14550] =	vst.add.f32.msk $0xffff, v22  }
0x233: {  	[tilespmem:s24+$0x14560] =	vst.add.f32.msk $0xffff, v23  }
0x234: {  	[tilespmem:s24+$0x14570] =	vst.add.f32.msk $0xffff, v24  }
0x235: {  	[tilespmem:s24+$0x14580] =	vst.add.f32.msk $0xffff, v25  }
.Ltmp3:
0x236: {  	[tilespmem:s24+$0x14590] =	vst.add.f32.msk $0xffff, v26;
	(pc) =	sbr.rel @p0 .LBB2_8-.Ltmp3, $4  }
0x237: {  	[tilespmem:s24+$0x145A0] =	vst.add.f32.msk $0xffff, v27  }
0x238: {  	[tilespmem:s24+$0x145B0] =	vst.add.f32.msk $0xffff, v28  }
0x239: {  	[tilespmem:s24+$0x145C0] =	vst.add.f32.msk $0xffff, v29  }
0x23a: {  	s4 =	sadd.s32 $0x800, s4;
	[tilespmem:s24+$0x145D0] =	vst.add.f32.msk $0xffff, v30  }
0x23b: {  	[tilespmem:s24+$0x145E0] =	vst.add.f32.msk $0xffff, v0;
	s4 =	simm.s32 $0x0;
	s24 =	simm.s32 $0x14400  }
0x23c: {  	[hbm4b:s9+s4] =	stream.linear.scatter [tilespmem:s24], [sflag:$0x4], $0x4000, $0x38;
	[tilespmem:$0x1C400] =	vst v63  }
0x23d: {  	_ =	swait.ge [sflag:s23], $0x4000  }
0x23e: {  	[sflag:s23] =	ssyncset.done $0x0  }
0x23f: {  	s24 =	simm.s32 $0x380;
	[sflag:s23] =	ssyncadd.s32 $0xFFFFC000  }
0x240: {  	[tilespmem:s21], [sflag:$0x9] =	stream.indirect.gather [hbm4b:s1+s17], $0x80, s24, s17, $0xb8;
	[tilespmem:$0x1C400] =	vst v63  }
0x241: {  	_ =	swait.ge [sflag:s25], $0x4000  }
0x242: {  	[sflag:s25] =	ssyncset.done $0x0  }
0x243: {  	s24 =	simm.s32 $0x0;
	[sflag:s25] =	ssyncadd.s32 $0xFFFFC000  }
0x244: {  	v0 =	vld [tilespmem:s24+$0x5F0]  }
0x245: {  	v1 =	vld [tilespmem:s24+$0x400]  }
0x246: {  	v2 =	vld [tilespmem:s24+$0x410]  }
0x247: {  	v3 =	vld [tilespmem:s24+$0x420]  }
0x248: {  	v4 =	vld [tilespmem:s24+$0x430]  }
0x249: {  	v5 =	vld [tilespmem:s24+$0x440]  }
0x24a: {  	v6 =	vld [tilespmem:s24+$0x450]  }
0x24b: {  	v7 =	vld [tilespmem:s24+$0x460]  }
0x24c: {  	v8 =	vld [tilespmem:s24+$0x470]  }
0x24d: {  	v9 =	vld [tilespmem:s24+$0x480]  }
0x24e: {  	v10 =	vld [tilespmem:s24+$0x490]  }
0x24f: {  	v11 =	vld [tilespmem:s24+$0x4A0]  }
0x250: {  	v12 =	vld [tilespmem:s24+$0x4B0]  }
0x251: {  	v13 =	vld [tilespmem:s24+$0x4C0]  }
0x252: {  	v14 =	vld [tilespmem:s24+$0x4D0]  }
0x253: {  	v15 =	vld [tilespmem:s24+$0x4E0]  }
0x254: {  	v16 =	vld [tilespmem:s24+$0x4F0]  }
0x255: {  	v17 =	vld [tilespmem:s24+$0x500]  }
0x256: {  	v18 =	vld [tilespmem:s24+$0x510]  }
0x257: {  	v19 =	vld [tilespmem:s24+$0x520]  }
0x258: {  	v20 =	vld [tilespmem:s24+$0x530]  }
0x259: {  	v21 =	vld [tilespmem:s24+$0x540]  }
0x25a: {  	v22 =	vld [tilespmem:s24+$0x550]  }
0x25b: {  	v23 =	vld [tilespmem:s24+$0x560]  }
0x25c: {  	v24 =	vld [tilespmem:s24+$0x570]  }
0x25d: {  	v25 =	vld [tilespmem:s24+$0x580]  }
0x25e: {  	v26 =	vld [tilespmem:s24+$0x590]  }
0x25f: {  	v27 =	vld [tilespmem:s24+$0x5A0]  }
0x260: {  	v28 =	vld [tilespmem:s24+$0x5B0]  }
0x261: {  	v29 =	vld [tilespmem:s24+$0x5C0]  }
0x262: {  	v30 =	vld [tilespmem:s24+$0x5D0]  }
0x263: {  	[tilespmem:s24+$0x185F0] =	vst.add.f32.msk $0xffff, v0  }
0x264: {  	v0 =	vld [tilespmem:s24+$0x5E0]  }
0x265: {  	[tilespmem:s24+$0x18400] =	vst.add.f32.msk $0xffff, v1  }
0x266: {  	[tilespmem:s24+$0x18410] =	vst.add.f32.msk $0xffff, v2  }
0x267: {  	[tilespmem:s24+$0x18420] =	vst.add.f32.msk $0xffff, v3  }
0x268: {  	[tilespmem:s24+$0x18430] =	vst.add.f32.msk $0xffff, v4  }
0x269: {  	[tilespmem:s24+$0x18440] =	vst.add.f32.msk $0xffff, v5  }
0x26a: {  	[tilespmem:s24+$0x18450] =	vst.add.f32.msk $0xffff, v6  }
0x26b: {  	[tilespmem:s24+$0x18460] =	vst.add.f32.msk $0xffff, v7  }
0x26c: {  	[tilespmem:s24+$0x18470] =	vst.add.f32.msk $0xffff, v8  }
0x26d: {  	[tilespmem:s24+$0x18480] =	vst.add.f32.msk $0xffff, v9  }
0x26e: {  	[tilespmem:s24+$0x18490] =	vst.add.f32.msk $0xffff, v10  }
0x26f: {  	[tilespmem:s24+$0x184A0] =	vst.add.f32.msk $0xffff, v11  }
0x270: {  	[tilespmem:s24+$0x184B0] =	vst.add.f32.msk $0xffff, v12  }
0x271: {  	[tilespmem:s24+$0x184C0] =	vst.add.f32.msk $0xffff, v13  }
0x272: {  	[tilespmem:s24+$0x184D0] =	vst.add.f32.msk $0xffff, v14  }
0x273: {  	[tilespmem:s24+$0x184E0] =	vst.add.f32.msk $0xffff, v15  }
0x274: {  	[tilespmem:s24+$0x184F0] =	vst.add.f32.msk $0xffff, v16  }
0x275: {  	[tilespmem:s24+$0x18500] =	vst.add.f32.msk $0xffff, v17  }
0x276: {  	[tilespmem:s24+$0x18510] =	vst.add.f32.msk $0xffff, v18  }
0x277: {  	[tilespmem:s24+$0x18520] =	vst.add.f32.msk $0xffff, v19  }
0x278: {  	[tilespmem:s24+$0x18530] =	vst.add.f32.msk $0xffff, v20  }
0x279: {  	[tilespmem:s24+$0x18540] =	vst.add.f32.msk $0xffff, v21  }
0x27a: {  	[tilespmem:s24+$0x18550] =	vst.add.f32.msk $0xffff, v22  }
0x27b: {  	[tilespmem:s24+$0x18560] =	vst.add.f32.msk $0xffff, v23  }
0x27c: {  	[tilespmem:s24+$0x18570] =	vst.add.f32.msk $0xffff, v24  }
0x27d: {  	[tilespmem:s24+$0x18580] =	vst.add.f32.msk $0xffff, v25  }
0x27e: {  	[tilespmem:s24+$0x18590] =	vst.add.f32.msk $0xffff, v26  }
0x27f: {  	[tilespmem:s24+$0x185A0] =	vst.add.f32.msk $0xffff, v27  }
0x280: {  	[tilespmem:s24+$0x185B0] =	vst.add.f32.msk $0xffff, v28  }
0x281: {  	[tilespmem:s24+$0x185C0] =	vst.add.f32.msk $0xffff, v29  }
0x282: {  	s28 =	simm.s32 $0x0;
	s4 =	simm.s32 $0x800;
	[tilespmem:s24+$0x185D0] =	vst.add.f32.msk $0xffff, v30  }
.LBB2_10:
0x283: {  	s28 =	sadd.s32 $0x4, s28;
	[tilespmem:s24+$0x185E0] =	vst.add.f32.msk $0xffff, v0;
	s24 =	sshra.s32 s4, $0x2  }
0x284: {  	v0 =	vld [tilespmem:s24+$0x5F0];
	p0 =	slt.u32 s28, $0x7C  }
0x285: {  	v1 =	vld [tilespmem:s24+$0x400]  }
0x286: {  	v2 =	vld [tilespmem:s24+$0x410]  }
0x287: {  	v3 =	vld [tilespmem:s24+$0x420]  }
0x288: {  	v4 =	vld [tilespmem:s24+$0x430]  }
0x289: {  	[tilespmem:s24+$0x185F0] =	vst.add.f32.msk $0xffff, v0  }
0x28a: {  	v5 =	vld [tilespmem:s24+$0x440]  }
0x28b: {  	v6 =	vld [tilespmem:s24+$0x450]  }
0x28c: {  	v7 =	vld [tilespmem:s24+$0x460]  }
0x28d: {  	v8 =	vld [tilespmem:s24+$0x470]  }
0x28e: {  	v9 =	vld [tilespmem:s24+$0x480]  }
0x28f: {  	v10 =	vld [tilespmem:s24+$0x490]  }
0x290: {  	v11 =	vld [tilespmem:s24+$0x4A0]  }
0x291: {  	v12 =	vld [tilespmem:s24+$0x4B0]  }
0x292: {  	v13 =	vld [tilespmem:s24+$0x4C0]  }
0x293: {  	v14 =	vld [tilespmem:s24+$0x4D0]  }
0x294: {  	v15 =	vld [tilespmem:s24+$0x4E0]  }
0x295: {  	v16 =	vld [tilespmem:s24+$0x4F0]  }
0x296: {  	v17 =	vld [tilespmem:s24+$0x500]  }
0x297: {  	v18 =	vld [tilespmem:s24+$0x510]  }
0x298: {  	v19 =	vld [tilespmem:s24+$0x520]  }
0x299: {  	v20 =	vld [tilespmem:s24+$0x530]  }
0x29a: {  	v21 =	vld [tilespmem:s24+$0x540]  }
0x29b: {  	v22 =	vld [tilespmem:s24+$0x550]  }
0x29c: {  	v23 =	vld [tilespmem:s24+$0x560]  }
0x29d: {  	v24 =	vld [tilespmem:s24+$0x570]  }
0x29e: {  	v25 =	vld [tilespmem:s24+$0x580]  }
0x29f: {  	v26 =	vld [tilespmem:s24+$0x590]  }
0x2a0: {  	v27 =	vld [tilespmem:s24+$0x5A0]  }
0x2a1: {  	v28 =	vld [tilespmem:s24+$0x5B0]  }
0x2a2: {  	v29 =	vld [tilespmem:s24+$0x5C0]  }
0x2a3: {  	v30 =	vld [tilespmem:s24+$0x5D0]  }
0x2a4: {  	v0 =	vld [tilespmem:s24+$0x5E0]  }
0x2a5: {  	[tilespmem:s24+$0x18400] =	vst.add.f32.msk $0xffff, v1  }
0x2a6: {  	[tilespmem:s24+$0x18410] =	vst.add.f32.msk $0xffff, v2  }
0x2a7: {  	[tilespmem:s24+$0x18420] =	vst.add.f32.msk $0xffff, v3  }
0x2a8: {  	[tilespmem:s24+$0x18430] =	vst.add.f32.msk $0xffff, v4  }
0x2a9: {  	[tilespmem:s24+$0x18440] =	vst.add.f32.msk $0xffff, v5  }
0x2aa: {  	[tilespmem:s24+$0x18450] =	vst.add.f32.msk $0xffff, v6  }
0x2ab: {  	[tilespmem:s24+$0x18460] =	vst.add.f32.msk $0xffff, v7  }
0x2ac: {  	[tilespmem:s24+$0x18470] =	vst.add.f32.msk $0xffff, v8  }
0x2ad: {  	[tilespmem:s24+$0x18480] =	vst.add.f32.msk $0xffff, v9  }
0x2ae: {  	[tilespmem:s24+$0x18490] =	vst.add.f32.msk $0xffff, v10  }
0x2af: {  	[tilespmem:s24+$0x184A0] =	vst.add.f32.msk $0xffff, v11  }
0x2b0: {  	[tilespmem:s24+$0x184B0] =	vst.add.f32.msk $0xffff, v12  }
0x2b1: {  	[tilespmem:s24+$0x184C0] =	vst.add.f32.msk $0xffff, v13  }
0x2b2: {  	[tilespmem:s24+$0x184D0] =	vst.add.f32.msk $0xffff, v14  }
0x2b3: {  	[tilespmem:s24+$0x184E0] =	vst.add.f32.msk $0xffff, v15  }
0x2b4: {  	[tilespmem:s24+$0x184F0] =	vst.add.f32.msk $0xffff, v16  }
0x2b5: {  	[tilespmem:s24+$0x18500] =	vst.add.f32.msk $0xffff, v17  }
0x2b6: {  	[tilespmem:s24+$0x18510] =	vst.add.f32.msk $0xffff, v18  }
0x2b7: {  	[tilespmem:s24+$0x18520] =	vst.add.f32.msk $0xffff, v19  }
0x2b8: {  	[tilespmem:s24+$0x18530] =	vst.add.f32.msk $0xffff, v20  }
0x2b9: {  	[tilespmem:s24+$0x18540] =	vst.add.f32.msk $0xffff, v21  }
0x2ba: {  	[tilespmem:s24+$0x18550] =	vst.add.f32.msk $0xffff, v22  }
0x2bb: {  	[tilespmem:s24+$0x18560] =	vst.add.f32.msk $0xffff, v23  }
0x2bc: {  	[tilespmem:s24+$0x18570] =	vst.add.f32.msk $0xffff, v24  }
0x2bd: {  	[tilespmem:s24+$0x18580] =	vst.add.f32.msk $0xffff, v25  }
.Ltmp4:
0x2be: {  	[tilespmem:s24+$0x18590] =	vst.add.f32.msk $0xffff, v26;
	(pc) =	sbr.rel @p0 .LBB2_10-.Ltmp4, $4  }
0x2bf: {  	[tilespmem:s24+$0x185A0] =	vst.add.f32.msk $0xffff, v27  }
0x2c0: {  	[tilespmem:s24+$0x185B0] =	vst.add.f32.msk $0xffff, v28  }
0x2c1: {  	[tilespmem:s24+$0x185C0] =	vst.add.f32.msk $0xffff, v29  }
0x2c2: {  	s4 =	sadd.s32 $0x800, s4;
	[tilespmem:s24+$0x185D0] =	vst.add.f32.msk $0xffff, v30  }
0x2c3: {  	[tilespmem:s24+$0x185E0] =	vst.add.f32.msk $0xffff, v0;
	s4 =	simm.s32 $0x0;
	s24 =	simm.s32 $0x18400  }
0x2c4: {  	[hbm4b:s10+s4] =	stream.linear.scatter [tilespmem:s24], [sflag:$0x5], $0x4000, $0x38;
	[tilespmem:$0x1C400] =	vst v63  }
0x2c5: {  	_ =	swait.ge [sflag:s29], $0x4000  }
0x2c6: {  	[sflag:s29] =	ssyncset.done $0x0  }
0x2c7: {  	s24 =	simm.s32 $0x0;
	[sflag:s29] =	ssyncadd.s32 $0xFFFFC000  }
0x2c8: {  	v0 =	vld [tilespmem:s24+$0x45F0]  }
0x2c9: {  	v1 =	vld [tilespmem:s24+$0x4400]  }
0x2ca: {  	v2 =	vld [tilespmem:s24+$0x4410]  }
0x2cb: {  	v3 =	vld [tilespmem:s24+$0x4420]  }
0x2cc: {  	v4 =	vld [tilespmem:s24+$0x4430]  }
0x2cd: {  	v5 =	vld [tilespmem:s24+$0x4440]  }
0x2ce: {  	v6 =	vld [tilespmem:s24+$0x4450]  }
0x2cf: {  	v7 =	vld [tilespmem:s24+$0x4460]  }
0x2d0: {  	v8 =	vld [tilespmem:s24+$0x4470]  }
0x2d1: {  	v9 =	vld [tilespmem:s24+$0x4480]  }
0x2d2: {  	v10 =	vld [tilespmem:s24+$0x4490]  }
0x2d3: {  	v11 =	vld [tilespmem:s24+$0x44A0]  }
0x2d4: {  	v12 =	vld [tilespmem:s24+$0x44B0]  }
0x2d5: {  	v13 =	vld [tilespmem:s24+$0x44C0]  }
0x2d6: {  	v14 =	vld [tilespmem:s24+$0x44D0]  }
0x2d7: {  	v15 =	vld [tilespmem:s24+$0x44E0]  }
0x2d8: {  	v16 =	vld [tilespmem:s24+$0x44F0]  }
0x2d9: {  	v17 =	vld [tilespmem:s24+$0x4500]  }
0x2da: {  	v18 =	vld [tilespmem:s24+$0x4510]  }
0x2db: {  	v19 =	vld [tilespmem:s24+$0x4520]  }
0x2dc: {  	v20 =	vld [tilespmem:s24+$0x4530]  }
0x2dd: {  	v21 =	vld [tilespmem:s24+$0x4540]  }
0x2de: {  	v22 =	vld [tilespmem:s24+$0x4550]  }
0x2df: {  	v23 =	vld [tilespmem:s24+$0x4560]  }
0x2e0: {  	v24 =	vld [tilespmem:s24+$0x4570]  }
0x2e1: {  	v25 =	vld [tilespmem:s24+$0x4580]  }
0x2e2: {  	v26 =	vld [tilespmem:s24+$0x4590]  }
0x2e3: {  	v27 =	vld [tilespmem:s24+$0x45A0]  }
0x2e4: {  	v28 =	vld [tilespmem:s24+$0x45B0]  }
0x2e5: {  	v29 =	vld [tilespmem:s24+$0x45C0]  }
0x2e6: {  	v30 =	vld [tilespmem:s24+$0x45D0]  }
0x2e7: {  	[tilespmem:s24+$0x85F0] =	vst.add.f32.msk $0xffff, v0  }
0x2e8: {  	v0 =	vld [tilespmem:s24+$0x45E0]  }
0x2e9: {  	[tilespmem:s24+$0x8400] =	vst.add.f32.msk $0xffff, v1  }
0x2ea: {  	[tilespmem:s24+$0x8410] =	vst.add.f32.msk $0xffff, v2  }
0x2eb: {  	[tilespmem:s24+$0x8420] =	vst.add.f32.msk $0xffff, v3  }
0x2ec: {  	[tilespmem:s24+$0x8430] =	vst.add.f32.msk $0xffff, v4  }
0x2ed: {  	[tilespmem:s24+$0x8440] =	vst.add.f32.msk $0xffff, v5  }
0x2ee: {  	[tilespmem:s24+$0x8450] =	vst.add.f32.msk $0xffff, v6  }
0x2ef: {  	[tilespmem:s24+$0x8460] =	vst.add.f32.msk $0xffff, v7  }
0x2f0: {  	[tilespmem:s24+$0x8470] =	vst.add.f32.msk $0xffff, v8  }
0x2f1: {  	[tilespmem:s24+$0x8480] =	vst.add.f32.msk $0xffff, v9  }
0x2f2: {  	[tilespmem:s24+$0x8490] =	vst.add.f32.msk $0xffff, v10  }
0x2f3: {  	[tilespmem:s24+$0x84A0] =	vst.add.f32.msk $0xffff, v11  }
0x2f4: {  	[tilespmem:s24+$0x84B0] =	vst.add.f32.msk $0xffff, v12  }
0x2f5: {  	[tilespmem:s24+$0x84C0] =	vst.add.f32.msk $0xffff, v13  }
0x2f6: {  	[tilespmem:s24+$0x84D0] =	vst.add.f32.msk $0xffff, v14  }
0x2f7: {  	[tilespmem:s24+$0x84E0] =	vst.add.f32.msk $0xffff, v15  }
0x2f8: {  	[tilespmem:s24+$0x84F0] =	vst.add.f32.msk $0xffff, v16  }
0x2f9: {  	[tilespmem:s24+$0x8500] =	vst.add.f32.msk $0xffff, v17  }
0x2fa: {  	[tilespmem:s24+$0x8510] =	vst.add.f32.msk $0xffff, v18  }
0x2fb: {  	[tilespmem:s24+$0x8520] =	vst.add.f32.msk $0xffff, v19  }
0x2fc: {  	[tilespmem:s24+$0x8530] =	vst.add.f32.msk $0xffff, v20  }
0x2fd: {  	[tilespmem:s24+$0x8540] =	vst.add.f32.msk $0xffff, v21  }
0x2fe: {  	[tilespmem:s24+$0x8550] =	vst.add.f32.msk $0xffff, v22  }
0x2ff: {  	[tilespmem:s24+$0x8560] =	vst.add.f32.msk $0xffff, v23  }
0x300: {  	[tilespmem:s24+$0x8570] =	vst.add.f32.msk $0xffff, v24  }
0x301: {  	[tilespmem:s24+$0x8580] =	vst.add.f32.msk $0xffff, v25  }
0x302: {  	[tilespmem:s24+$0x8590] =	vst.add.f32.msk $0xffff, v26  }
0x303: {  	[tilespmem:s24+$0x85A0] =	vst.add.f32.msk $0xffff, v27  }
0x304: {  	[tilespmem:s24+$0x85B0] =	vst.add.f32.msk $0xffff, v28  }
0x305: {  	[tilespmem:s24+$0x85C0] =	vst.add.f32.msk $0xffff, v29  }
0x306: {  	s28 =	simm.s32 $0x0;
	s4 =	simm.s32 $0x800;
	[tilespmem:s24+$0x85D0] =	vst.add.f32.msk $0xffff, v30  }
.LBB2_12:
0x307: {  	s28 =	sadd.s32 $0x4, s28;
	[tilespmem:s24+$0x85E0] =	vst.add.f32.msk $0xffff, v0;
	s24 =	sshra.s32 s4, $0x2  }
0x308: {  	v0 =	vld [tilespmem:s24+$0x45F0];
	p0 =	slt.u32 s28, $0x7C  }
0x309: {  	v1 =	vld [tilespmem:s24+$0x4400]  }
0x30a: {  	v2 =	vld [tilespmem:s24+$0x4410]  }
0x30b: {  	v3 =	vld [tilespmem:s24+$0x4420]  }
0x30c: {  	v4 =	vld [tilespmem:s24+$0x4430]  }
0x30d: {  	[tilespmem:s24+$0x85F0] =	vst.add.f32.msk $0xffff, v0  }
0x30e: {  	v5 =	vld [tilespmem:s24+$0x4440]  }
0x30f: {  	v6 =	vld [tilespmem:s24+$0x4450]  }
0x310: {  	v7 =	vld [tilespmem:s24+$0x4460]  }
0x311: {  	v8 =	vld [tilespmem:s24+$0x4470]  }
0x312: {  	v9 =	vld [tilespmem:s24+$0x4480]  }
0x313: {  	v10 =	vld [tilespmem:s24+$0x4490]  }
0x314: {  	v11 =	vld [tilespmem:s24+$0x44A0]  }
0x315: {  	v12 =	vld [tilespmem:s24+$0x44B0]  }
0x316: {  	v13 =	vld [tilespmem:s24+$0x44C0]  }
0x317: {  	v14 =	vld [tilespmem:s24+$0x44D0]  }
0x318: {  	v15 =	vld [tilespmem:s24+$0x44E0]  }
0x319: {  	v16 =	vld [tilespmem:s24+$0x44F0]  }
0x31a: {  	v17 =	vld [tilespmem:s24+$0x4500]  }
0x31b: {  	v18 =	vld [tilespmem:s24+$0x4510]  }
0x31c: {  	v19 =	vld [tilespmem:s24+$0x4520]  }
0x31d: {  	v20 =	vld [tilespmem:s24+$0x4530]  }
0x31e: {  	v21 =	vld [tilespmem:s24+$0x4540]  }
0x31f: {  	v22 =	vld [tilespmem:s24+$0x4550]  }
0x320: {  	v23 =	vld [tilespmem:s24+$0x4560]  }
0x321: {  	v24 =	vld [tilespmem:s24+$0x4570]  }
0x322: {  	v25 =	vld [tilespmem:s24+$0x4580]  }
0x323: {  	v26 =	vld [tilespmem:s24+$0x4590]  }
0x324: {  	v27 =	vld [tilespmem:s24+$0x45A0]  }
0x325: {  	v28 =	vld [tilespmem:s24+$0x45B0]  }
0x326: {  	v29 =	vld [tilespmem:s24+$0x45C0]  }
0x327: {  	v30 =	vld [tilespmem:s24+$0x45D0]  }
0x328: {  	v0 =	vld [tilespmem:s24+$0x45E0]  }
0x329: {  	[tilespmem:s24+$0x8400] =	vst.add.f32.msk $0xffff, v1  }
0x32a: {  	[tilespmem:s24+$0x8410] =	vst.add.f32.msk $0xffff, v2  }
0x32b: {  	[tilespmem:s24+$0x8420] =	vst.add.f32.msk $0xffff, v3  }
0x32c: {  	[tilespmem:s24+$0x8430] =	vst.add.f32.msk $0xffff, v4  }
0x32d: {  	[tilespmem:s24+$0x8440] =	vst.add.f32.msk $0xffff, v5  }
0x32e: {  	[tilespmem:s24+$0x8450] =	vst.add.f32.msk $0xffff, v6  }
0x32f: {  	[tilespmem:s24+$0x8460] =	vst.add.f32.msk $0xffff, v7  }
0x330: {  	[tilespmem:s24+$0x8470] =	vst.add.f32.msk $0xffff, v8  }
0x331: {  	[tilespmem:s24+$0x8480] =	vst.add.f32.msk $0xffff, v9  }
0x332: {  	[tilespmem:s24+$0x8490] =	vst.add.f32.msk $0xffff, v10  }
0x333: {  	[tilespmem:s24+$0x84A0] =	vst.add.f32.msk $0xffff, v11  }
0x334: {  	[tilespmem:s24+$0x84B0] =	vst.add.f32.msk $0xffff, v12  }
0x335: {  	[tilespmem:s24+$0x84C0] =	vst.add.f32.msk $0xffff, v13  }
0x336: {  	[tilespmem:s24+$0x84D0] =	vst.add.f32.msk $0xffff, v14  }
0x337: {  	[tilespmem:s24+$0x84E0] =	vst.add.f32.msk $0xffff, v15  }
0x338: {  	[tilespmem:s24+$0x84F0] =	vst.add.f32.msk $0xffff, v16  }
0x339: {  	[tilespmem:s24+$0x8500] =	vst.add.f32.msk $0xffff, v17  }
0x33a: {  	[tilespmem:s24+$0x8510] =	vst.add.f32.msk $0xffff, v18  }
0x33b: {  	[tilespmem:s24+$0x8520] =	vst.add.f32.msk $0xffff, v19  }
0x33c: {  	[tilespmem:s24+$0x8530] =	vst.add.f32.msk $0xffff, v20  }
0x33d: {  	[tilespmem:s24+$0x8540] =	vst.add.f32.msk $0xffff, v21  }
0x33e: {  	[tilespmem:s24+$0x8550] =	vst.add.f32.msk $0xffff, v22  }
0x33f: {  	[tilespmem:s24+$0x8560] =	vst.add.f32.msk $0xffff, v23  }
0x340: {  	[tilespmem:s24+$0x8570] =	vst.add.f32.msk $0xffff, v24  }
0x341: {  	[tilespmem:s24+$0x8580] =	vst.add.f32.msk $0xffff, v25  }
.Ltmp5:
0x342: {  	[tilespmem:s24+$0x8590] =	vst.add.f32.msk $0xffff, v26;
	(pc) =	sbr.rel @p0 .LBB2_12-.Ltmp5, $4  }
0x343: {  	[tilespmem:s24+$0x85A0] =	vst.add.f32.msk $0xffff, v27  }
0x344: {  	[tilespmem:s24+$0x85B0] =	vst.add.f32.msk $0xffff, v28  }
0x345: {  	[tilespmem:s24+$0x85C0] =	vst.add.f32.msk $0xffff, v29  }
0x346: {  	s4 =	sadd.s32 $0x800, s4;
	[tilespmem:s24+$0x85D0] =	vst.add.f32.msk $0xffff, v30  }
0x347: {  	[tilespmem:s24+$0x85E0] =	vst.add.f32.msk $0xffff, v0;
	s4 =	simm.s32 $0x0  }
0x348: {  	[hbm4b:s11+s4] =	stream.linear.scatter [tilespmem:s18], [sflag:$0x1], $0x4000, $0x38;
	[tilespmem:$0x1C400] =	vst v63  }
0x349: {  	_ =	swait.ge [sflag:s0], $0x4000  }
0x34a: {  	[sflag:s0] =	ssyncset.done $0x0  }
0x34b: {  	s24 =	simm.s32 $0x0;
	[sflag:s0] =	ssyncadd.s32 $0xFFFFC000  }
0x34c: {  	v0 =	vld [tilespmem:s24+$0x5F0]  }
0x34d: {  	v1 =	vld [tilespmem:s24+$0x400]  }
0x34e: {  	v2 =	vld [tilespmem:s24+$0x410]  }
0x34f: {  	v3 =	vld [tilespmem:s24+$0x420]  }
0x350: {  	v4 =	vld [tilespmem:s24+$0x430]  }
0x351: {  	v5 =	vld [tilespmem:s24+$0x440]  }
0x352: {  	v6 =	vld [tilespmem:s24+$0x450]  }
0x353: {  	v7 =	vld [tilespmem:s24+$0x460]  }
0x354: {  	v8 =	vld [tilespmem:s24+$0x470]  }
0x355: {  	v9 =	vld [tilespmem:s24+$0x480]  }
0x356: {  	v10 =	vld [tilespmem:s24+$0x490]  }
0x357: {  	v11 =	vld [tilespmem:s24+$0x4A0]  }
0x358: {  	v12 =	vld [tilespmem:s24+$0x4B0]  }
0x359: {  	v13 =	vld [tilespmem:s24+$0x4C0]  }
0x35a: {  	v14 =	vld [tilespmem:s24+$0x4D0]  }
0x35b: {  	v15 =	vld [tilespmem:s24+$0x4E0]  }
0x35c: {  	v16 =	vld [tilespmem:s24+$0x4F0]  }
0x35d: {  	v17 =	vld [tilespmem:s24+$0x500]  }
0x35e: {  	v18 =	vld [tilespmem:s24+$0x510]  }
0x35f: {  	v19 =	vld [tilespmem:s24+$0x520]  }
0x360: {  	v20 =	vld [tilespmem:s24+$0x530]  }
0x361: {  	v21 =	vld [tilespmem:s24+$0x540]  }
0x362: {  	v22 =	vld [tilespmem:s24+$0x550]  }
0x363: {  	v23 =	vld [tilespmem:s24+$0x560]  }
0x364: {  	v24 =	vld [tilespmem:s24+$0x570]  }
0x365: {  	v25 =	vld [tilespmem:s24+$0x580]  }
0x366: {  	v26 =	vld [tilespmem:s24+$0x590]  }
0x367: {  	v27 =	vld [tilespmem:s24+$0x5A0]  }
0x368: {  	v28 =	vld [tilespmem:s24+$0x5B0]  }
0x369: {  	v29 =	vld [tilespmem:s24+$0x5C0]  }
0x36a: {  	v30 =	vld [tilespmem:s24+$0x5D0]  }
0x36b: {  	[tilespmem:s24+$0xC5F0] =	vst.add.f32.msk $0xffff, v0  }
0x36c: {  	v0 =	vld [tilespmem:s24+$0x5E0]  }
0x36d: {  	[tilespmem:s24+$0xC400] =	vst.add.f32.msk $0xffff, v1  }
0x36e: {  	[tilespmem:s24+$0xC410] =	vst.add.f32.msk $0xffff, v2  }
0x36f: {  	[tilespmem:s24+$0xC420] =	vst.add.f32.msk $0xffff, v3  }
0x370: {  	[tilespmem:s24+$0xC430] =	vst.add.f32.msk $0xffff, v4  }
0x371: {  	[tilespmem:s24+$0xC440] =	vst.add.f32.msk $0xffff, v5  }
0x372: {  	[tilespmem:s24+$0xC450] =	vst.add.f32.msk $0xffff, v6  }
0x373: {  	[tilespmem:s24+$0xC460] =	vst.add.f32.msk $0xffff, v7  }
0x374: {  	[tilespmem:s24+$0xC470] =	vst.add.f32.msk $0xffff, v8  }
0x375: {  	[tilespmem:s24+$0xC480] =	vst.add.f32.msk $0xffff, v9  }
0x376: {  	[tilespmem:s24+$0xC490] =	vst.add.f32.msk $0xffff, v10  }
0x377: {  	[tilespmem:s24+$0xC4A0] =	vst.add.f32.msk $0xffff, v11  }
0x378: {  	[tilespmem:s24+$0xC4B0] =	vst.add.f32.msk $0xffff, v12  }
0x379: {  	[tilespmem:s24+$0xC4C0] =	vst.add.f32.msk $0xffff, v13  }
0x37a: {  	[tilespmem:s24+$0xC4D0] =	vst.add.f32.msk $0xffff, v14  }
0x37b: {  	[tilespmem:s24+$0xC4E0] =	vst.add.f32.msk $0xffff, v15  }
0x37c: {  	[tilespmem:s24+$0xC4F0] =	vst.add.f32.msk $0xffff, v16  }
0x37d: {  	[tilespmem:s24+$0xC500] =	vst.add.f32.msk $0xffff, v17  }
0x37e: {  	[tilespmem:s24+$0xC510] =	vst.add.f32.msk $0xffff, v18  }
0x37f: {  	[tilespmem:s24+$0xC520] =	vst.add.f32.msk $0xffff, v19  }
0x380: {  	[tilespmem:s24+$0xC530] =	vst.add.f32.msk $0xffff, v20  }
0x381: {  	[tilespmem:s24+$0xC540] =	vst.add.f32.msk $0xffff, v21  }
0x382: {  	[tilespmem:s24+$0xC550] =	vst.add.f32.msk $0xffff, v22  }
0x383: {  	[tilespmem:s24+$0xC560] =	vst.add.f32.msk $0xffff, v23  }
0x384: {  	[tilespmem:s24+$0xC570] =	vst.add.f32.msk $0xffff, v24  }
0x385: {  	[tilespmem:s24+$0xC580] =	vst.add.f32.msk $0xffff, v25  }
0x386: {  	[tilespmem:s24+$0xC590] =	vst.add.f32.msk $0xffff, v26  }
0x387: {  	[tilespmem:s24+$0xC5A0] =	vst.add.f32.msk $0xffff, v27  }
0x388: {  	[tilespmem:s24+$0xC5B0] =	vst.add.f32.msk $0xffff, v28  }
0x389: {  	[tilespmem:s24+$0xC5C0] =	vst.add.f32.msk $0xffff, v29  }
0x38a: {  	s28 =	simm.s32 $0x0;
	s4 =	simm.s32 $0x800;
	[tilespmem:s24+$0xC5D0] =	vst.add.f32.msk $0xffff, v30  }
.LBB2_14:
0x38b: {  	s28 =	sadd.s32 $0x4, s28;
	[tilespmem:s24+$0xC5E0] =	vst.add.f32.msk $0xffff, v0;
	s24 =	sshra.s32 s4, $0x2  }
0x38c: {  	v0 =	vld [tilespmem:s24+$0x5F0];
	p0 =	slt.u32 s28, $0x7C  }
0x38d: {  	v1 =	vld [tilespmem:s24+$0x400]  }
0x38e: {  	v2 =	vld [tilespmem:s24+$0x410]  }
0x38f: {  	v3 =	vld [tilespmem:s24+$0x420]  }
0x390: {  	v4 =	vld [tilespmem:s24+$0x430]  }
0x391: {  	[tilespmem:s24+$0xC5F0] =	vst.add.f32.msk $0xffff, v0  }
0x392: {  	v5 =	vld [tilespmem:s24+$0x440]  }
0x393: {  	v6 =	vld [tilespmem:s24+$0x450]  }
0x394: {  	v7 =	vld [tilespmem:s24+$0x460]  }
0x395: {  	v8 =	vld [tilespmem:s24+$0x470]  }
0x396: {  	v9 =	vld [tilespmem:s24+$0x480]  }
0x397: {  	v10 =	vld [tilespmem:s24+$0x490]  }
0x398: {  	v11 =	vld [tilespmem:s24+$0x4A0]  }
0x399: {  	v12 =	vld [tilespmem:s24+$0x4B0]  }
0x39a: {  	v13 =	vld [tilespmem:s24+$0x4C0]  }
0x39b: {  	v14 =	vld [tilespmem:s24+$0x4D0]  }
0x39c: {  	v15 =	vld [tilespmem:s24+$0x4E0]  }
0x39d: {  	v16 =	vld [tilespmem:s24+$0x4F0]  }
0x39e: {  	v17 =	vld [tilespmem:s24+$0x500]  }
0x39f: {  	v18 =	vld [tilespmem:s24+$0x510]  }
0x3a0: {  	v19 =	vld [tilespmem:s24+$0x520]  }
0x3a1: {  	v20 =	vld [tilespmem:s24+$0x530]  }
0x3a2: {  	v21 =	vld [tilespmem:s24+$0x540]  }
0x3a3: {  	v22 =	vld [tilespmem:s24+$0x550]  }
0x3a4: {  	v23 =	vld [tilespmem:s24+$0x560]  }
0x3a5: {  	v24 =	vld [tilespmem:s24+$0x570]  }
0x3a6: {  	v25 =	vld [tilespmem:s24+$0x580]  }
0x3a7: {  	v26 =	vld [tilespmem:s24+$0x590]  }
0x3a8: {  	v27 =	vld [tilespmem:s24+$0x5A0]  }
0x3a9: {  	v28 =	vld [tilespmem:s24+$0x5B0]  }
0x3aa: {  	v29 =	vld [tilespmem:s24+$0x5C0]  }
0x3ab: {  	v30 =	vld [tilespmem:s24+$0x5D0]  }
0x3ac: {  	v0 =	vld [tilespmem:s24+$0x5E0]  }
0x3ad: {  	[tilespmem:s24+$0xC400] =	vst.add.f32.msk $0xffff, v1  }
0x3ae: {  	[tilespmem:s24+$0xC410] =	vst.add.f32.msk $0xffff, v2  }
0x3af: {  	[tilespmem:s24+$0xC420] =	vst.add.f32.msk $0xffff, v3  }
0x3b0: {  	[tilespmem:s24+$0xC430] =	vst.add.f32.msk $0xffff, v4  }
0x3b1: {  	[tilespmem:s24+$0xC440] =	vst.add.f32.msk $0xffff, v5  }
0x3b2: {  	[tilespmem:s24+$0xC450] =	vst.add.f32.msk $0xffff, v6  }
0x3b3: {  	[tilespmem:s24+$0xC460] =	vst.add.f32.msk $0xffff, v7  }
0x3b4: {  	[tilespmem:s24+$0xC470] =	vst.add.f32.msk $0xffff, v8  }
0x3b5: {  	[tilespmem:s24+$0xC480] =	vst.add.f32.msk $0xffff, v9  }
0x3b6: {  	[tilespmem:s24+$0xC490] =	vst.add.f32.msk $0xffff, v10  }
0x3b7: {  	[tilespmem:s24+$0xC4A0] =	vst.add.f32.msk $0xffff, v11  }
0x3b8: {  	[tilespmem:s24+$0xC4B0] =	vst.add.f32.msk $0xffff, v12  }
0x3b9: {  	[tilespmem:s24+$0xC4C0] =	vst.add.f32.msk $0xffff, v13  }
0x3ba: {  	[tilespmem:s24+$0xC4D0] =	vst.add.f32.msk $0xffff, v14  }
0x3bb: {  	[tilespmem:s24+$0xC4E0] =	vst.add.f32.msk $0xffff, v15  }
0x3bc: {  	[tilespmem:s24+$0xC4F0] =	vst.add.f32.msk $0xffff, v16  }
0x3bd: {  	[tilespmem:s24+$0xC500] =	vst.add.f32.msk $0xffff, v17  }
0x3be: {  	[tilespmem:s24+$0xC510] =	vst.add.f32.msk $0xffff, v18  }
0x3bf: {  	[tilespmem:s24+$0xC520] =	vst.add.f32.msk $0xffff, v19  }
0x3c0: {  	[tilespmem:s24+$0xC530] =	vst.add.f32.msk $0xffff, v20  }
0x3c1: {  	[tilespmem:s24+$0xC540] =	vst.add.f32.msk $0xffff, v21  }
0x3c2: {  	[tilespmem:s24+$0xC550] =	vst.add.f32.msk $0xffff, v22  }
0x3c3: {  	[tilespmem:s24+$0xC560] =	vst.add.f32.msk $0xffff, v23  }
0x3c4: {  	[tilespmem:s24+$0xC570] =	vst.add.f32.msk $0xffff, v24  }
0x3c5: {  	[tilespmem:s24+$0xC580] =	vst.add.f32.msk $0xffff, v25  }
.Ltmp6:
0x3c6: {  	[tilespmem:s24+$0xC590] =	vst.add.f32.msk $0xffff, v26;
	(pc) =	sbr.rel @p0 .LBB2_14-.Ltmp6, $4  }
0x3c7: {  	[tilespmem:s24+$0xC5A0] =	vst.add.f32.msk $0xffff, v27  }
0x3c8: {  	[tilespmem:s24+$0xC5B0] =	vst.add.f32.msk $0xffff, v28  }
0x3c9: {  	[tilespmem:s24+$0xC5C0] =	vst.add.f32.msk $0xffff, v29  }
0x3ca: {  	s4 =	sadd.s32 $0x800, s4;
	[tilespmem:s24+$0xC5D0] =	vst.add.f32.msk $0xffff, v30  }
0x3cb: {  	[tilespmem:s24+$0xC5E0] =	vst.add.f32.msk $0xffff, v0;
	s4 =	simm.s32 $0x0  }
0x3cc: {  	[hbm4b:s12+s4] =	stream.linear.scatter [tilespmem:s19], [sflag:$0x2], $0x4000, $0x38;
	[tilespmem:$0x1C400] =	vst v63  }
0x3cd: {  	_ =	swait.ge [sflag:s20], $0x4000  }
0x3ce: {  	[sflag:s20] =	ssyncset.done $0x0  }
0x3cf: {  	s24 =	simm.s32 $0x0;
	[sflag:s20] =	ssyncadd.s32 $0xFFFFC000  }
0x3d0: {  	v0 =	vld [tilespmem:s24+$0x45F0]  }
0x3d1: {  	v1 =	vld [tilespmem:s24+$0x4400]  }
0x3d2: {  	v2 =	vld [tilespmem:s24+$0x4410]  }
0x3d3: {  	v3 =	vld [tilespmem:s24+$0x4420]  }
0x3d4: {  	v4 =	vld [tilespmem:s24+$0x4430]  }
0x3d5: {  	v5 =	vld [tilespmem:s24+$0x4440]  }
0x3d6: {  	v6 =	vld [tilespmem:s24+$0x4450]  }
0x3d7: {  	v7 =	vld [tilespmem:s24+$0x4460]  }
0x3d8: {  	v8 =	vld [tilespmem:s24+$0x4470]  }
0x3d9: {  	v9 =	vld [tilespmem:s24+$0x4480]  }
0x3da: {  	v10 =	vld [tilespmem:s24+$0x4490]  }
0x3db: {  	v11 =	vld [tilespmem:s24+$0x44A0]  }
0x3dc: {  	v12 =	vld [tilespmem:s24+$0x44B0]  }
0x3dd: {  	v13 =	vld [tilespmem:s24+$0x44C0]  }
0x3de: {  	v14 =	vld [tilespmem:s24+$0x44D0]  }
0x3df: {  	v15 =	vld [tilespmem:s24+$0x44E0]  }
0x3e0: {  	v16 =	vld [tilespmem:s24+$0x44F0]  }
0x3e1: {  	v17 =	vld [tilespmem:s24+$0x4500]  }
0x3e2: {  	v18 =	vld [tilespmem:s24+$0x4510]  }
0x3e3: {  	v19 =	vld [tilespmem:s24+$0x4520]  }
0x3e4: {  	v20 =	vld [tilespmem:s24+$0x4530]  }
0x3e5: {  	v21 =	vld [tilespmem:s24+$0x4540]  }
0x3e6: {  	v22 =	vld [tilespmem:s24+$0x4550]  }
0x3e7: {  	v23 =	vld [tilespmem:s24+$0x4560]  }
0x3e8: {  	v24 =	vld [tilespmem:s24+$0x4570]  }
0x3e9: {  	v25 =	vld [tilespmem:s24+$0x4580]  }
0x3ea: {  	v26 =	vld [tilespmem:s24+$0x4590]  }
0x3eb: {  	v27 =	vld [tilespmem:s24+$0x45A0]  }
0x3ec: {  	v28 =	vld [tilespmem:s24+$0x45B0]  }
0x3ed: {  	v29 =	vld [tilespmem:s24+$0x45C0]  }
0x3ee: {  	v30 =	vld [tilespmem:s24+$0x45D0]  }
0x3ef: {  	[tilespmem:s24+$0x105F0] =	vst.add.f32.msk $0xffff, v0  }
0x3f0: {  	v0 =	vld [tilespmem:s24+$0x45E0]  }
0x3f1: {  	[tilespmem:s24+$0x10400] =	vst.add.f32.msk $0xffff, v1  }
0x3f2: {  	[tilespmem:s24+$0x10410] =	vst.add.f32.msk $0xffff, v2  }
0x3f3: {  	[tilespmem:s24+$0x10420] =	vst.add.f32.msk $0xffff, v3  }
0x3f4: {  	[tilespmem:s24+$0x10430] =	vst.add.f32.msk $0xffff, v4  }
0x3f5: {  	[tilespmem:s24+$0x10440] =	vst.add.f32.msk $0xffff, v5  }
0x3f6: {  	[tilespmem:s24+$0x10450] =	vst.add.f32.msk $0xffff, v6  }
0x3f7: {  	[tilespmem:s24+$0x10460] =	vst.add.f32.msk $0xffff, v7  }
0x3f8: {  	[tilespmem:s24+$0x10470] =	vst.add.f32.msk $0xffff, v8  }
0x3f9: {  	[tilespmem:s24+$0x10480] =	vst.add.f32.msk $0xffff, v9  }
0x3fa: {  	[tilespmem:s24+$0x10490] =	vst.add.f32.msk $0xffff, v10  }
0x3fb: {  	[tilespmem:s24+$0x104A0] =	vst.add.f32.msk $0xffff, v11  }
0x3fc: {  	[tilespmem:s24+$0x104B0] =	vst.add.f32.msk $0xffff, v12  }
0x3fd: {  	[tilespmem:s24+$0x104C0] =	vst.add.f32.msk $0xffff, v13  }
0x3fe: {  	[tilespmem:s24+$0x104D0] =	vst.add.f32.msk $0xffff, v14  }
0x3ff: {  	[tilespmem:s24+$0x104E0] =	vst.add.f32.msk $0xffff, v15  }
0x400: {  	[tilespmem:s24+$0x104F0] =	vst.add.f32.msk $0xffff, v16  }
0x401: {  	[tilespmem:s24+$0x10500] =	vst.add.f32.msk $0xffff, v17  }
0x402: {  	[tilespmem:s24+$0x10510] =	vst.add.f32.msk $0xffff, v18  }
0x403: {  	[tilespmem:s24+$0x10520] =	vst.add.f32.msk $0xffff, v19  }
0x404: {  	[tilespmem:s24+$0x10530] =	vst.add.f32.msk $0xffff, v20  }
0x405: {  	[tilespmem:s24+$0x10540] =	vst.add.f32.msk $0xffff, v21  }
0x406: {  	[tilespmem:s24+$0x10550] =	vst.add.f32.msk $0xffff, v22  }
0x407: {  	[tilespmem:s24+$0x10560] =	vst.add.f32.msk $0xffff, v23  }
0x408: {  	[tilespmem:s24+$0x10570] =	vst.add.f32.msk $0xffff, v24  }
0x409: {  	[tilespmem:s24+$0x10580] =	vst.add.f32.msk $0xffff, v25  }
0x40a: {  	[tilespmem:s24+$0x10590] =	vst.add.f32.msk $0xffff, v26  }
0x40b: {  	[tilespmem:s24+$0x105A0] =	vst.add.f32.msk $0xffff, v27  }
0x40c: {  	[tilespmem:s24+$0x105B0] =	vst.add.f32.msk $0xffff, v28  }
0x40d: {  	[tilespmem:s24+$0x105C0] =	vst.add.f32.msk $0xffff, v29  }
0x40e: {  	s28 =	simm.s32 $0x0;
	s4 =	simm.s32 $0x800;
	[tilespmem:s24+$0x105D0] =	vst.add.f32.msk $0xffff, v30  }
.LBB2_16:
0x40f: {  	s28 =	sadd.s32 $0x4, s28;
	[tilespmem:s24+$0x105E0] =	vst.add.f32.msk $0xffff, v0;
	s24 =	sshra.s32 s4, $0x2  }
0x410: {  	v0 =	vld [tilespmem:s24+$0x45F0];
	p0 =	slt.u32 s28, $0x7C  }
0x411: {  	v1 =	vld [tilespmem:s24+$0x4400]  }
0x412: {  	v2 =	vld [tilespmem:s24+$0x4410]  }
0x413: {  	v3 =	vld [tilespmem:s24+$0x4420]  }
0x414: {  	v4 =	vld [tilespmem:s24+$0x4430]  }
0x415: {  	[tilespmem:s24+$0x105F0] =	vst.add.f32.msk $0xffff, v0  }
0x416: {  	v5 =	vld [tilespmem:s24+$0x4440]  }
0x417: {  	v6 =	vld [tilespmem:s24+$0x4450]  }
0x418: {  	v7 =	vld [tilespmem:s24+$0x4460]  }
0x419: {  	v8 =	vld [tilespmem:s24+$0x4470]  }
0x41a: {  	v9 =	vld [tilespmem:s24+$0x4480]  }
0x41b: {  	v10 =	vld [tilespmem:s24+$0x4490]  }
0x41c: {  	v11 =	vld [tilespmem:s24+$0x44A0]  }
0x41d: {  	v12 =	vld [tilespmem:s24+$0x44B0]  }
0x41e: {  	v13 =	vld [tilespmem:s24+$0x44C0]  }
0x41f: {  	v14 =	vld [tilespmem:s24+$0x44D0]  }
0x420: {  	v15 =	vld [tilespmem:s24+$0x44E0]  }
0x421: {  	v16 =	vld [tilespmem:s24+$0x44F0]  }
0x422: {  	v17 =	vld [tilespmem:s24+$0x4500]  }
0x423: {  	v18 =	vld [tilespmem:s24+$0x4510]  }
0x424: {  	v19 =	vld [tilespmem:s24+$0x4520]  }
0x425: {  	v20 =	vld [tilespmem:s24+$0x4530]  }
0x426: {  	v21 =	vld [tilespmem:s24+$0x4540]  }
0x427: {  	v22 =	vld [tilespmem:s24+$0x4550]  }
0x428: {  	v23 =	vld [tilespmem:s24+$0x4560]  }
0x429: {  	v24 =	vld [tilespmem:s24+$0x4570]  }
0x42a: {  	v25 =	vld [tilespmem:s24+$0x4580]  }
0x42b: {  	v26 =	vld [tilespmem:s24+$0x4590]  }
0x42c: {  	v27 =	vld [tilespmem:s24+$0x45A0]  }
0x42d: {  	v28 =	vld [tilespmem:s24+$0x45B0]  }
0x42e: {  	v29 =	vld [tilespmem:s24+$0x45C0]  }
0x42f: {  	v30 =	vld [tilespmem:s24+$0x45D0]  }
0x430: {  	v0 =	vld [tilespmem:s24+$0x45E0]  }
0x431: {  	[tilespmem:s24+$0x10400] =	vst.add.f32.msk $0xffff, v1  }
0x432: {  	[tilespmem:s24+$0x10410] =	vst.add.f32.msk $0xffff, v2  }
0x433: {  	[tilespmem:s24+$0x10420] =	vst.add.f32.msk $0xffff, v3  }
0x434: {  	[tilespmem:s24+$0x10430] =	vst.add.f32.msk $0xffff, v4  }
0x435: {  	[tilespmem:s24+$0x10440] =	vst.add.f32.msk $0xffff, v5  }
0x436: {  	[tilespmem:s24+$0x10450] =	vst.add.f32.msk $0xffff, v6  }
0x437: {  	[tilespmem:s24+$0x10460] =	vst.add.f32.msk $0xffff, v7  }
0x438: {  	[tilespmem:s24+$0x10470] =	vst.add.f32.msk $0xffff, v8  }
0x439: {  	[tilespmem:s24+$0x10480] =	vst.add.f32.msk $0xffff, v9  }
0x43a: {  	[tilespmem:s24+$0x10490] =	vst.add.f32.msk $0xffff, v10  }
0x43b: {  	[tilespmem:s24+$0x104A0] =	vst.add.f32.msk $0xffff, v11  }
0x43c: {  	[tilespmem:s24+$0x104B0] =	vst.add.f32.msk $0xffff, v12  }
0x43d: {  	[tilespmem:s24+$0x104C0] =	vst.add.f32.msk $0xffff, v13  }
0x43e: {  	[tilespmem:s24+$0x104D0] =	vst.add.f32.msk $0xffff, v14  }
0x43f: {  	[tilespmem:s24+$0x104E0] =	vst.add.f32.msk $0xffff, v15  }
0x440: {  	[tilespmem:s24+$0x104F0] =	vst.add.f32.msk $0xffff, v16  }
0x441: {  	[tilespmem:s24+$0x10500] =	vst.add.f32.msk $0xffff, v17  }
0x442: {  	[tilespmem:s24+$0x10510] =	vst.add.f32.msk $0xffff, v18  }
0x443: {  	[tilespmem:s24+$0x10520] =	vst.add.f32.msk $0xffff, v19  }
0x444: {  	[tilespmem:s24+$0x10530] =	vst.add.f32.msk $0xffff, v20  }
0x445: {  	[tilespmem:s24+$0x10540] =	vst.add.f32.msk $0xffff, v21  }
0x446: {  	[tilespmem:s24+$0x10550] =	vst.add.f32.msk $0xffff, v22  }
0x447: {  	[tilespmem:s24+$0x10560] =	vst.add.f32.msk $0xffff, v23  }
0x448: {  	[tilespmem:s24+$0x10570] =	vst.add.f32.msk $0xffff, v24  }
0x449: {  	[tilespmem:s24+$0x10580] =	vst.add.f32.msk $0xffff, v25  }
.Ltmp7:
0x44a: {  	[tilespmem:s24+$0x10590] =	vst.add.f32.msk $0xffff, v26;
	(pc) =	sbr.rel @p0 .LBB2_16-.Ltmp7, $4  }
0x44b: {  	[tilespmem:s24+$0x105A0] =	vst.add.f32.msk $0xffff, v27  }
0x44c: {  	[tilespmem:s24+$0x105B0] =	vst.add.f32.msk $0xffff, v28  }
0x44d: {  	[tilespmem:s24+$0x105C0] =	vst.add.f32.msk $0xffff, v29  }
0x44e: {  	s4 =	sadd.s32 $0x800, s4;
	[tilespmem:s24+$0x105D0] =	vst.add.f32.msk $0xffff, v30  }
0x44f: {  	[tilespmem:s24+$0x105E0] =	vst.add.f32.msk $0xffff, v0  }
0x450: {  	[hbm4b:s13+s3] =	stream.linear.scatter [tilespmem:s21], [sflag:$0x3], $0x4000, $0x38;
	[tilespmem:$0x1C400] =	vst v63  }
0x451: {  	_ =	swait.ge [sflag:s31], $0x4000  }
0x452: {  	[sflag:s31] =	ssyncset.done $0x0  }
0x453: {  	[sflag:s31] =	ssyncadd.s32 $0xFFFFC000  }
0x454: {  	_ =	swait.ge [sflag:s16], $0x4000  }
0x455: {  	[sflag:s16] =	ssyncset.done $0x0  }
0x456: {  	[sflag:s16] =	ssyncadd.s32 $0xFFFFC000  }
0x457: {  	_ =	swait.ge [sflag:s30], $0x4000  }
0x458: {  	[sflag:s30] =	ssyncset.done $0x0  }
0x459: {  	s26 =	sadd.s32 $0x1, s26;
	[sflag:s30] =	ssyncadd.s32 $0xFFFFC000  }
0x45a: {  	p0 =	sne.s32 s26, s14;
	_ =	swait.ge [sflag:s2], $0x4000  }
.Ltmp8:
0x45b: {  	[sflag:s2] =	ssyncset.done $0x0;
	(pc) =	sbr.rel @p0 .LBB2_1-.Ltmp8, $4  }
0x45c: {  	[sflag:s2] =	ssyncadd.s32 $0xFFFFC000  }
0x45d: {  	_ =	swait.ge [sflag:s23], $0x4000  }
0x45e: {  	[sflag:s23] =	ssyncset.done $0x0  }
0x45f: {  	[sflag:s23] =	ssyncadd.s32 $0xFFFFC000  }
0x460: {  	_ =	sfence.sel $0x180000  }
0x461: {  	[bflag:$0x0] =	sbarrier.arrive $0xFFFF  }
0x462: {  	_ =	strace $0x90000047  }
0x463: {  	s0 =	stileid.u32;
	[bflag:$0x2] =	sbarrier.arrive $0xFFFF  }
0x464: {  	p0 =	sne.s32 s0, $0x0;
	s0 =	rddreg [dreg:$0x4]  }
0x465: {  	s0 =	sadd.s32 @!p0 $0x100000, s0  }
0x466: {  	[sflag:s0] =	ssyncadd.tile.s32 @!p0 $0x1;
	_ =	shalt  }
.Lfunc_end2:
_tile_overlayer_lowered:
.L_overlay_start_2:
0x467: {  	(tag) =	ssettag $0x2  }
0x468: {  	s0 =	rddreg [dreg:$0x0];
	s2 =	stileid.u32  }
0x469: {  	s1 =	rddreg [dreg:$0x1];
	p0 =	sne.s32 s2, $0x0  }
0x46a: {  	s3 =	rddreg [dreg:$0x2];
	[bflag:$0x3] =	sbarrier.arrive $0xFFFF;
	s2 =	simm.s32 @!p0 $0x1C0B  }
0x46b: {  	[timem:s3], [sflag:s2] =	dma.local @!p0 [hbm:s0], s1  }
0x46c: {  	s0 =	simm.s32 @!p0 $0xB  }
0x46d: {  	_ =	swait.ge @!p0 [sflag:s0], s1  }
0x46e: {  	s1 =	ssub.s32 @!p0 $0x0, s1;
	[sflag:s0] =	ssyncset.done @!p0 $0x0  }
0x46f: {  	[sflag:s0] =	ssyncadd.s32 @!p0 s1  }
0x470: {  	[bflag:$0x3] =	sbarrier.arrive $0xFFFF  }
0x471: {  	_ =	shalt  }

</sc_bundles>
